<compile_context>
chip_gen: v7x
topology: tpu7x:2x2x1
jax: 0.10.2.dev20260603
libtpu: 0.0.44.dev20260713+nightly
codegen_flags: <defaults>
</compile_context>

<pallas_src>
import functools

import jax
import jax.numpy as jnp
from jax import lax
from jax.experimental import pallas as pl
from jax.experimental.pallas import tpu as pltpu
from jax.experimental.pallas import tpu_sc as plsc

_L = 16
_DI = 4
_DO = 2


@functools.lru_cache(maxsize=None)
def _make_sc_kernel(N, H, V, CH):
    info = plsc.get_sparse_core_info()
    NC, NS = info.num_cores, info.num_subcores
    NW = NC * NS
    assert N % (NW * CH) == 0 and H % _L == 0
    rows_per_w = N // NW
    n_chunks = rows_per_w // CH
    assert n_chunks % _DI == 0 and n_chunks // _DI >= 3
    quads = n_chunks // _DI
    groups = H // _L
    mesh = plsc.VectorSubcoreMesh(core_axis_name="c", subcore_axis_name="s")

    @functools.partial(
        pl.kernel,
        mesh=mesh,
        out_type=jax.ShapeDtypeStruct((N, H), jnp.float32),
        compiler_params=pltpu.CompilerParams(needs_layout_passes=False),
        scratch_types=(
            [pltpu.VMEM((V * H,), jnp.float32)]
            + [pltpu.VMEM((rows_per_w,), jnp.int32)]
            + [pltpu.VMEM((CH, H), jnp.float32) for _ in range(_DI)]
            + [pltpu.VMEM((CH, H), jnp.float32) for _ in range(_DO)]
            + [pltpu.SemaphoreType.DMA for _ in range(_DI + _DO)]
        ),
    )
    def k(x_hbm, mask_hbm, table_hbm, out_hbm, tab_v, idx_all, *bufs):
        xs = bufs[:_DI]
        os_ = bufs[_DI:_DI + _DO]
        sem_in = bufs[_DI + _DO:2 * _DI + _DO]
        sem_out = bufs[2 * _DI + _DO:]
        wid = lax.axis_index("s") * NC + lax.axis_index("c")
        row0 = wid * rows_per_w
        iota = lax.iota(jnp.int32, _L)

        def in_copy(chunk, ki):
            rbase = row0 + chunk * CH
            return pltpu.make_async_copy(
                x_hbm.at[pl.ds(rbase, CH)], xs[ki], sem_in[ki])

        def out_copy(chunk, ko):
            rbase = row0 + chunk * CH
            return pltpu.make_async_copy(
                os_[ko], out_hbm.at[pl.ds(rbase, CH)], sem_out[ko])

        def compute(c, ki, ko):
            xb, ob = xs[ki], os_[ko]
            crow = c * CH

            @plsc.parallel_loop(0, CH)
            def row_body(r):
                mvec = plsc.load_gather(
                    idx_all, [jnp.full((_L,), crow, jnp.int32) + r])
                bvec = mvec * H + iota

                @plsc.parallel_loop(0, groups, unroll=8)
                def col_body(j):
                    t = plsc.load_gather(tab_v, [bvec + j * _L])
                    sl = pl.ds(j * _L, _L)
                    ob[r, sl] = xb[r, sl] + t

        for k in range(_DI):
            in_copy(k, k).start()
        pltpu.sync_copy(table_hbm, tab_v)
        pltpu.sync_copy(mask_hbm.at[pl.ds(row0, rows_per_w)], idx_all)

        for k in range(_DI):
            in_copy(k, k).wait()
            if k >= _DO:
                out_copy(k - _DO, k % _DO).wait()
            compute(k, k, k % _DO)
            out_copy(k, k % _DO).start()
            in_copy(k + _DI, k).start()

        def quad_body(q, carry):
            c0 = q * _DI
            for k in range(_DI):
                c = c0 + k
                in_copy(c, k).wait()
                out_copy(c - _DO, k % _DO).wait()
                compute(c, k, k % _DO)
                out_copy(c, k % _DO).start()
                in_copy(c + _DI, k).start()
            return carry

        lax.fori_loop(1, quads - 1, quad_body, 0)

        c0 = (quads - 1) * _DI
        for k in range(_DI):
            c = c0 + k
            in_copy(c, k).wait()
            out_copy(c - _DO, k % _DO).wait()
            compute(c, k, k % _DO)
            out_copy(c, k % _DO).start()
        out_copy(n_chunks - 2, 0).wait()
        out_copy(n_chunks - 1, 1).wait()

    return k


def kernel(input, segment_mask, segment_embedding):
    B, S, H = input.shape
    V = segment_embedding.shape[0]
    N = B * S
    x = input.reshape(N, H)
    m = segment_mask.reshape(N).astype(jnp.int32)
    tab = segment_embedding.reshape(V * H).astype(jnp.float32)
    out = _make_sc_kernel(N, H, V, 16)(x, m, tab)
    return out.reshape(B, S, H)

# --- scband reference (transcript-rebuilt; emitter-appended) ---
"""Pipeline reference for scband-add-learned-segment-embedding-50981261804194 (READ-ONLY COPY).

The authoritative reference and input builder live on the scoring server;
editing this copy changes nothing except your own understanding.
"""

import jax, jax.numpy as jnp
import numpy as np

MAX_SEGMENT_NUM = 16
B, S, H = 4, 8192, 1024

def setup_inputs(seed: int = 0) -> dict:
    key = jax.random.key(seed)
    k1, k2, k3 = jax.random.split(key, 3)
    x = jax.random.normal(k1, (B, S, H), dtype=jnp.float32)
    segment_mask = jax.random.randint(k2, (B, S), 0, MAX_SEGMENT_NUM, dtype=jnp.int64)
    segment_embedding = jax.random.normal(k3, (MAX_SEGMENT_NUM, H), dtype=jnp.float32) * 0.02
    return {"input": x, "segment_mask": segment_mask, "segment_embedding": segment_embedding}

def reference(input, segment_mask, segment_embedding):
    hidden_dim = input.shape[-1]
    pad = jnp.zeros((1, hidden_dim), dtype=input.dtype)
    embedding_table = jnp.concatenate([pad, segment_embedding], axis=0)
    return input + jnp.take(embedding_table, segment_mask + 1, axis=0)

if __name__ == "__main__":
    import jax
    _d = setup_inputs()
    print(jax.jit(kernel)(*tuple(_d.values())))

</pallas_src>

<mosaic_0001>
#map = affine_map<(d0, d1) -> (0, 0)>
#map1 = affine_map<(d0, d1) -> (0)>
module attributes {stable_mosaic.version = 14 : i64} {
  func.func @k(%arg0: i32, %arg1: i32, %arg2: memref<32768x1024xf32, #tpu.memory_space<hbm>>, %arg3: memref<32768xi32, #tpu.memory_space<hbm>>, %arg4: memref<16384xf32, #tpu.memory_space<hbm>>, %arg5: memref<32768x1024xf32, #tpu.memory_space<hbm>>, %arg6: memref<16384xf32, #tpu.memory_space<vmem>>, %arg7: memref<1024xi32, #tpu.memory_space<vmem>>, %arg8: memref<16x1024xf32, #tpu.memory_space<vmem>>, %arg9: memref<16x1024xf32, #tpu.memory_space<vmem>>, %arg10: memref<16x1024xf32, #tpu.memory_space<vmem>>, %arg11: memref<16x1024xf32, #tpu.memory_space<vmem>>, %arg12: memref<16x1024xf32, #tpu.memory_space<vmem>>, %arg13: memref<16x1024xf32, #tpu.memory_space<vmem>>, %arg14: memref<!tpu.dma_semaphore, #tpu.memory_space<semaphore_mem>>, %arg15: memref<!tpu.dma_semaphore, #tpu.memory_space<semaphore_mem>>, %arg16: memref<!tpu.dma_semaphore, #tpu.memory_space<semaphore_mem>>, %arg17: memref<!tpu.dma_semaphore, #tpu.memory_space<semaphore_mem>>, %arg18: memref<!tpu.dma_semaphore, #tpu.memory_space<semaphore_mem>>, %arg19: memref<!tpu.dma_semaphore, #tpu.memory_space<semaphore_mem>>) attributes {dimension_semantics = [#tpu.dimension_semantics<core_parallel>, #tpu.dimension_semantics<subcore_parallel>], iteration_bounds = array<i64: 2, 16>, scalar_prefetch = 0 : i64, scratch_operands = 14 : i64, tpu.core_type = #tpu.core_type<sc_vector_subcore>, window_params = [{transform_indices = #map}, {transform_indices = #map1}, {transform_indices = #map1}, {transform_indices = #map}]} {
    %mul3A = arith.constant 2 : i32
    %mul3A_0 = arith.muli %arg1, %mul3A : i32
    %add3A = arith.addi %mul3A_0, %arg0 : i32
    %mul3A_1 = arith.constant 1024 : i32
    %mul3A_2 = arith.muli %add3A, %mul3A_1 : i32
    %iota3A = tpu.iota {dimensions = array<i32: 0>} : vector<16xi32>
    %add3A_3 = arith.constant 0 : i32
    %add3A_4 = arith.addi %mul3A_2, %add3A_3 : i32
    %dma_start3A = arith.constant 0 : i32
    %dma_start3A_5 = tpu.memref_slice %arg2[%add3A_4, %dma_start3A] : memref<32768x1024xf32, #tpu.memory_space<hbm>> -> memref<16x1024xf32, #tpu.memory_space<hbm>>
    %dma_start3A_6 = arith.constant 0 : i32
    %dma_start3A_7 = tpu.memref_slice %arg2[%add3A_4, %dma_start3A_6] : memref<32768x1024xf32, #tpu.memory_space<hbm>> -> memref<16x1024xf32, #tpu.memory_space<hbm>>
    tpu.enqueue_dma source(%dma_start3A_7 : memref<16x1024xf32, #tpu.memory_space<hbm>>) target(%arg8 : memref<16x1024xf32, #tpu.memory_space<vmem>>) target_semaphore(%arg14 : memref<!tpu.dma_semaphore, #tpu.memory_space<semaphore_mem>>)
    %add3A_8 = arith.constant 16 : i32
    %add3A_9 = arith.addi %mul3A_2, %add3A_8 : i32
    %dma_start3A_10 = arith.constant 0 : i32
    %dma_start3A_11 = tpu.memref_slice %arg2[%add3A_9, %dma_start3A_10] : memref<32768x1024xf32, #tpu.memory_space<hbm>> -> memref<16x1024xf32, #tpu.memory_space<hbm>>
    %dma_start3A_12 = arith.constant 0 : i32
    %dma_start3A_13 = tpu.memref_slice %arg2[%add3A_9, %dma_start3A_12] : memref<32768x1024xf32, #tpu.memory_space<hbm>> -> memref<16x1024xf32, #tpu.memory_space<hbm>>
    tpu.enqueue_dma source(%dma_start3A_13 : memref<16x1024xf32, #tpu.memory_space<hbm>>) target(%arg9 : memref<16x1024xf32, #tpu.memory_space<vmem>>) target_semaphore(%arg15 : memref<!tpu.dma_semaphore, #tpu.memory_space<semaphore_mem>>)
    %add3A_14 = arith.constant 32 : i32
    %add3A_15 = arith.addi %mul3A_2, %add3A_14 : i32
    %dma_start3A_16 = arith.constant 0 : i32
    %dma_start3A_17 = tpu.memref_slice %arg2[%add3A_15, %dma_start3A_16] : memref<32768x1024xf32, #tpu.memory_space<hbm>> -> memref<16x1024xf32, #tpu.memory_space<hbm>>
    %dma_start3A_18 = arith.constant 0 : i32
    %dma_start3A_19 = tpu.memref_slice %arg2[%add3A_15, %dma_start3A_18] : memref<32768x1024xf32, #tpu.memory_space<hbm>> -> memref<16x1024xf32, #tpu.memory_space<hbm>>
    tpu.enqueue_dma source(%dma_start3A_19 : memref<16x1024xf32, #tpu.memory_space<hbm>>) target(%arg10 : memref<16x1024xf32, #tpu.memory_space<vmem>>) target_semaphore(%arg16 : memref<!tpu.dma_semaphore, #tpu.memory_space<semaphore_mem>>)
    %add3A_20 = arith.constant 48 : i32
    %add3A_21 = arith.addi %mul3A_2, %add3A_20 : i32
    %dma_start3A_22 = arith.constant 0 : i32
    %dma_start3A_23 = tpu.memref_slice %arg2[%add3A_21, %dma_start3A_22] : memref<32768x1024xf32, #tpu.memory_space<hbm>> -> memref<16x1024xf32, #tpu.memory_space<hbm>>
    %dma_start3A_24 = arith.constant 0 : i32
    %dma_start3A_25 = tpu.memref_slice %arg2[%add3A_21, %dma_start3A_24] : memref<32768x1024xf32, #tpu.memory_space<hbm>> -> memref<16x1024xf32, #tpu.memory_space<hbm>>
    tpu.enqueue_dma source(%dma_start3A_25 : memref<16x1024xf32, #tpu.memory_space<hbm>>) target(%arg11 : memref<16x1024xf32, #tpu.memory_space<vmem>>) target_semaphore(%arg17 : memref<!tpu.dma_semaphore, #tpu.memory_space<semaphore_mem>>)
    "tpu.region"() ({
      %run_scoped3A = tpu.sem_alloc : memref<!tpu.dma_semaphore, #tpu.memory_space<semaphore_mem>>
      tpu.enqueue_dma source(%arg4 : memref<16384xf32, #tpu.memory_space<hbm>>) target(%arg6 : memref<16384xf32, #tpu.memory_space<vmem>>) target_semaphore(%run_scoped3A : memref<!tpu.dma_semaphore, #tpu.memory_space<semaphore_mem>>)
      tpu.wait_dma2 semaphore(%run_scoped3A : memref<!tpu.dma_semaphore, #tpu.memory_space<semaphore_mem>>) src(%arg4 : memref<16384xf32, #tpu.memory_space<hbm>>) dst(%arg6 : memref<16384xf32, #tpu.memory_space<vmem>>)
      tpu.yield
    }) : () -> ()
    "tpu.region"() ({
      %run_scoped3A = tpu.sem_alloc : memref<!tpu.dma_semaphore, #tpu.memory_space<semaphore_mem>>
      %dma_start3A_221 = tpu.memref_slice %arg3[%mul3A_2] : memref<32768xi32, #tpu.memory_space<hbm>> -> memref<1024xi32, #tpu.memory_space<hbm>>
      %dma_start3A_222 = tpu.memref_slice %arg3[%mul3A_2] : memref<32768xi32, #tpu.memory_space<hbm>> -> memref<1024xi32, #tpu.memory_space<hbm>>
      tpu.enqueue_dma source(%dma_start3A_222 : memref<1024xi32, #tpu.memory_space<hbm>>) target(%arg7 : memref<1024xi32, #tpu.memory_space<vmem>>) target_semaphore(%run_scoped3A : memref<!tpu.dma_semaphore, #tpu.memory_space<semaphore_mem>>)
      %dma_wait3A_223 = tpu.memref_slice %arg3[%mul3A_2] : memref<32768xi32, #tpu.memory_space<hbm>> -> memref<1024xi32, #tpu.memory_space<hbm>>
      %dma_wait3A_224 = tpu.memref_slice %arg3[%mul3A_2] : memref<32768xi32, #tpu.memory_space<hbm>> -> memref<1024xi32, #tpu.memory_space<hbm>>
      tpu.wait_dma2 semaphore(%run_scoped3A : memref<!tpu.dma_semaphore, #tpu.memory_space<semaphore_mem>>) src(%dma_wait3A_224 : memref<1024xi32, #tpu.memory_space<hbm>>) dst(%arg7 : memref<1024xi32, #tpu.memory_space<vmem>>)
      tpu.yield
    }) : () -> ()
    %add3A_26 = arith.constant 0 : i32
    %add3A_27 = arith.addi %mul3A_2, %add3A_26 : i32
    %dma_wait3A = arith.constant 0 : i32
    %dma_wait3A_28 = tpu.memref_slice %arg2[%add3A_27, %dma_wait3A] : memref<32768x1024xf32, #tpu.memory_space<hbm>> -> memref<16x1024xf32, #tpu.memory_space<hbm>>
    %dma_wait3A_29 = arith.constant 0 : i32
    %dma_wait3A_30 = tpu.memref_slice %arg2[%add3A_27, %dma_wait3A_29] : memref<32768x1024xf32, #tpu.memory_space<hbm>> -> memref<16x1024xf32, #tpu.memory_space<hbm>>
    tpu.wait_dma2 semaphore(%arg14 : memref<!tpu.dma_semaphore, #tpu.memory_space<semaphore_mem>>) src(%dma_wait3A_30 : memref<16x1024xf32, #tpu.memory_space<hbm>>) dst(%arg8 : memref<16x1024xf32, #tpu.memory_space<vmem>>)
    %parallel_loop3A = arith.constant 0 : i32
    %parallel_loop3A_31 = arith.constant 16 : i32
    %parallel_loop3A_32 = arith.constant 1 : i32
    scf.for %parallel_loop3A_221 = %parallel_loop3A to %parallel_loop3A_31 step %parallel_loop3A_32  : i32 {
      %parallel_loop3A_222 = arith.constant 0 : i32
      %parallel_loop3A_223 = vector.broadcast %parallel_loop3A_222 : i32 to vector<16xi32>
      %parallel_loop3A_224 = vector.broadcast %parallel_loop3A_221 : i32 to vector<16xi32>
      %parallel_loop3A_225 = arith.addi %parallel_loop3A_223, %parallel_loop3A_224 : vector<16xi32>
      %parallel_loop3A_226 = tpu.vector_load_idx %arg7[%parallel_loop3A_225] : memref<1024xi32, #tpu.memory_space<vmem>>[vector<16xi32>], vector<16xi32>,
      %parallel_loop3A_227 = arith.constant 1024 : i32
      %parallel_loop3A_228 = vector.broadcast %parallel_loop3A_227 : i32 to vector<16xi32>
      %parallel_loop3A_229 = arith.muli %parallel_loop3A_226, %parallel_loop3A_228 : vector<16xi32>
      %parallel_loop3A_230 = arith.addi %parallel_loop3A_229, %iota3A : vector<16xi32>
      %parallel_loop3A_231 = arith.constant 0 : i32
      %parallel_loop3A_232 = arith.constant 64 : i32
      %parallel_loop3A_233 = arith.constant 1 : i32
      scf.for %parallel_loop3A_234 = %parallel_loop3A_231 to %parallel_loop3A_232 step %parallel_loop3A_233  : i32 {
        %parallel_loop3A_235 = arith.constant 16 : i32
        %parallel_loop3A_236 = arith.muli %parallel_loop3A_234, %parallel_loop3A_235 : i32
        %parallel_loop3A_237 = vector.broadcast %parallel_loop3A_236 : i32 to vector<16xi32>
        %parallel_loop3A_238 = arith.addi %parallel_loop3A_230, %parallel_loop3A_237 : vector<16xi32>
        %parallel_loop3A_239 = tpu.vector_load_idx %arg6[%parallel_loop3A_238] : memref<16384xf32, #tpu.memory_space<vmem>>[vector<16xi32>], vector<16xf32>,
        %parallel_loop3A_240 = arith.constant 16 : i32
        %parallel_loop3A_241 = arith.muli %parallel_loop3A_234, %parallel_loop3A_240 : i32
        %parallel_loop3A_242 = arith.index_cast %parallel_loop3A_221 : i32 to index
        %parallel_loop3A_243 = arith.index_cast %parallel_loop3A_241 : i32 to index
        %parallel_loop3A_244 = tpu.vector_load %arg8[%parallel_loop3A_242, %parallel_loop3A_243] {strides = array<i32>} : memref<16x1024xf32, #tpu.memory_space<vmem>>, vector<16xf32>,
        %parallel_loop3A_245 = arith.addf %parallel_loop3A_244, %parallel_loop3A_239 : vector<16xf32>
        %parallel_loop3A_246 = arith.index_cast %parallel_loop3A_221 : i32 to index
        %parallel_loop3A_247 = arith.index_cast %parallel_loop3A_241 : i32 to index
        %parallel_loop3A_248 = tpu.vector_load %arg12[%parallel_loop3A_246, %parallel_loop3A_247] {strides = array<i32>} : memref<16x1024xf32, #tpu.memory_space<vmem>>, vector<16xf32>,
        tpu.vector_store %arg12[%parallel_loop3A_246, %parallel_loop3A_247], %parallel_loop3A_245 {strides = array<i32>} : memref<16x1024xf32, #tpu.memory_space<vmem>>, vector<16xf32>,
      } {sc.loop_unroll_factor = 8 : i64, sc.parallel_access}
    } {sc.loop_unroll_factor = 1 : i64, sc.parallel_access}
    %add3A_33 = arith.constant 0 : i32
    %add3A_34 = arith.addi %mul3A_2, %add3A_33 : i32
    %dma_start3A_35 = arith.constant 0 : i32
    %dma_start3A_36 = tpu.memref_slice %arg5[%add3A_34, %dma_start3A_35] : memref<32768x1024xf32, #tpu.memory_space<hbm>> -> memref<16x1024xf32, #tpu.memory_space<hbm>>
    %dma_start3A_37 = arith.constant 0 : i32
    %dma_start3A_38 = tpu.memref_slice %arg5[%add3A_34, %dma_start3A_37] : memref<32768x1024xf32, #tpu.memory_space<hbm>> -> memref<16x1024xf32, #tpu.memory_space<hbm>>
    tpu.enqueue_dma source(%arg12 : memref<16x1024xf32, #tpu.memory_space<vmem>>) target(%dma_start3A_38 : memref<16x1024xf32, #tpu.memory_space<hbm>>) target_semaphore(%arg18 : memref<!tpu.dma_semaphore, #tpu.memory_space<semaphore_mem>>)
    %add3A_39 = arith.constant 64 : i32
    %add3A_40 = arith.addi %mul3A_2, %add3A_39 : i32
    %dma_start3A_41 = arith.constant 0 : i32
    %dma_start3A_42 = tpu.memref_slice %arg2[%add3A_40, %dma_start3A_41] : memref<32768x1024xf32, #tpu.memory_space<hbm>> -> memref<16x1024xf32, #tpu.memory_space<hbm>>
    %dma_start3A_43 = arith.constant 0 : i32
    %dma_start3A_44 = tpu.memref_slice %arg2[%add3A_40, %dma_start3A_43] : memref<32768x1024xf32, #tpu.memory_space<hbm>> -> memref<16x1024xf32, #tpu.memory_space<hbm>>
    tpu.enqueue_dma source(%dma_start3A_44 : memref<16x1024xf32, #tpu.memory_space<hbm>>) target(%arg8 : memref<16x1024xf32, #tpu.memory_space<vmem>>) target_semaphore(%arg14 : memref<!tpu.dma_semaphore, #tpu.memory_space<semaphore_mem>>)
    %add3A_45 = arith.constant 16 : i32
    %add3A_46 = arith.addi %mul3A_2, %add3A_45 : i32
    %dma_wait3A_47 = arith.constant 0 : i32
    %dma_wait3A_48 = tpu.memref_slice %arg2[%add3A_46, %dma_wait3A_47] : memref<32768x1024xf32, #tpu.memory_space<hbm>> -> memref<16x1024xf32, #tpu.memory_space<hbm>>
    %dma_wait3A_49 = arith.constant 0 : i32
    %dma_wait3A_50 = tpu.memref_slice %arg2[%add3A_46, %dma_wait3A_49] : memref<32768x1024xf32, #tpu.memory_space<hbm>> -> memref<16x1024xf32, #tpu.memory_space<hbm>>
    tpu.wait_dma2 semaphore(%arg15 : memref<!tpu.dma_semaphore, #tpu.memory_space<semaphore_mem>>) src(%dma_wait3A_50 : memref<16x1024xf32, #tpu.memory_space<hbm>>) dst(%arg9 : memref<16x1024xf32, #tpu.memory_space<vmem>>)
    %parallel_loop3A_51 = arith.constant 0 : i32
    %parallel_loop3A_52 = arith.constant 16 : i32
    %parallel_loop3A_53 = arith.constant 1 : i32
    scf.for %parallel_loop3A_221 = %parallel_loop3A_51 to %parallel_loop3A_52 step %parallel_loop3A_53  : i32 {
      %parallel_loop3A_222 = arith.constant 16 : i32
      %parallel_loop3A_223 = vector.broadcast %parallel_loop3A_222 : i32 to vector<16xi32>
      %parallel_loop3A_224 = vector.broadcast %parallel_loop3A_221 : i32 to vector<16xi32>
      %parallel_loop3A_225 = arith.addi %parallel_loop3A_223, %parallel_loop3A_224 : vector<16xi32>
      %parallel_loop3A_226 = tpu.vector_load_idx %arg7[%parallel_loop3A_225] : memref<1024xi32, #tpu.memory_space<vmem>>[vector<16xi32>], vector<16xi32>,
      %parallel_loop3A_227 = arith.constant 1024 : i32
      %parallel_loop3A_228 = vector.broadcast %parallel_loop3A_227 : i32 to vector<16xi32>
      %parallel_loop3A_229 = arith.muli %parallel_loop3A_226, %parallel_loop3A_228 : vector<16xi32>
      %parallel_loop3A_230 = arith.addi %parallel_loop3A_229, %iota3A : vector<16xi32>
      %parallel_loop3A_231 = arith.constant 0 : i32
      %parallel_loop3A_232 = arith.constant 64 : i32
      %parallel_loop3A_233 = arith.constant 1 : i32
      scf.for %parallel_loop3A_234 = %parallel_loop3A_231 to %parallel_loop3A_232 step %parallel_loop3A_233  : i32 {
        %parallel_loop3A_235 = arith.constant 16 : i32
        %parallel_loop3A_236 = arith.muli %parallel_loop3A_234, %parallel_loop3A_235 : i32
        %parallel_loop3A_237 = vector.broadcast %parallel_loop3A_236 : i32 to vector<16xi32>
        %parallel_loop3A_238 = arith.addi %parallel_loop3A_230, %parallel_loop3A_237 : vector<16xi32>
        %parallel_loop3A_239 = tpu.vector_load_idx %arg6[%parallel_loop3A_238] : memref<16384xf32, #tpu.memory_space<vmem>>[vector<16xi32>], vector<16xf32>,
        %parallel_loop3A_240 = arith.constant 16 : i32
        %parallel_loop3A_241 = arith.muli %parallel_loop3A_234, %parallel_loop3A_240 : i32
        %parallel_loop3A_242 = arith.index_cast %parallel_loop3A_221 : i32 to index
        %parallel_loop3A_243 = arith.index_cast %parallel_loop3A_241 : i32 to index
        %parallel_loop3A_244 = tpu.vector_load %arg9[%parallel_loop3A_242, %parallel_loop3A_243] {strides = array<i32>} : memref<16x1024xf32, #tpu.memory_space<vmem>>, vector<16xf32>,
        %parallel_loop3A_245 = arith.addf %parallel_loop3A_244, %parallel_loop3A_239 : vector<16xf32>
        %parallel_loop3A_246 = arith.index_cast %parallel_loop3A_221 : i32 to index
        %parallel_loop3A_247 = arith.index_cast %parallel_loop3A_241 : i32 to index
        %parallel_loop3A_248 = tpu.vector_load %arg13[%parallel_loop3A_246, %parallel_loop3A_247] {strides = array<i32>} : memref<16x1024xf32, #tpu.memory_space<vmem>>, vector<16xf32>,
        tpu.vector_store %arg13[%parallel_loop3A_246, %parallel_loop3A_247], %parallel_loop3A_245 {strides = array<i32>} : memref<16x1024xf32, #tpu.memory_space<vmem>>, vector<16xf32>,
      } {sc.loop_unroll_factor = 8 : i64, sc.parallel_access}
    } {sc.loop_unroll_factor = 1 : i64, sc.parallel_access}
    %add3A_54 = arith.constant 16 : i32
    %add3A_55 = arith.addi %mul3A_2, %add3A_54 : i32
    %dma_start3A_56 = arith.constant 0 : i32
    %dma_start3A_57 = tpu.memref_slice %arg5[%add3A_55, %dma_start3A_56] : memref<32768x1024xf32, #tpu.memory_space<hbm>> -> memref<16x1024xf32, #tpu.memory_space<hbm>>
    %dma_start3A_58 = arith.constant 0 : i32
    %dma_start3A_59 = tpu.memref_slice %arg5[%add3A_55, %dma_start3A_58] : memref<32768x1024xf32, #tpu.memory_space<hbm>> -> memref<16x1024xf32, #tpu.memory_space<hbm>>
    tpu.enqueue_dma source(%arg13 : memref<16x1024xf32, #tpu.memory_space<vmem>>) target(%dma_start3A_59 : memref<16x1024xf32, #tpu.memory_space<hbm>>) target_semaphore(%arg19 : memref<!tpu.dma_semaphore, #tpu.memory_space<semaphore_mem>>)
    %add3A_60 = arith.constant 80 : i32
    %add3A_61 = arith.addi %mul3A_2, %add3A_60 : i32
    %dma_start3A_62 = arith.constant 0 : i32
    %dma_start3A_63 = tpu.memref_slice %arg2[%add3A_61, %dma_start3A_62] : memref<32768x1024xf32, #tpu.memory_space<hbm>> -> memref<16x1024xf32, #tpu.memory_space<hbm>>
    %dma_start3A_64 = arith.constant 0 : i32
    %dma_start3A_65 = tpu.memref_slice %arg2[%add3A_61, %dma_start3A_64] : memref<32768x1024xf32, #tpu.memory_space<hbm>> -> memref<16x1024xf32, #tpu.memory_space<hbm>>
    tpu.enqueue_dma source(%dma_start3A_65 : memref<16x1024xf32, #tpu.memory_space<hbm>>) target(%arg9 : memref<16x1024xf32, #tpu.memory_space<vmem>>) target_semaphore(%arg15 : memref<!tpu.dma_semaphore, #tpu.memory_space<semaphore_mem>>)
    %add3A_66 = arith.constant 32 : i32
    %add3A_67 = arith.addi %mul3A_2, %add3A_66 : i32
    %dma_wait3A_68 = arith.constant 0 : i32
    %dma_wait3A_69 = tpu.memref_slice %arg2[%add3A_67, %dma_wait3A_68] : memref<32768x1024xf32, #tpu.memory_space<hbm>> -> memref<16x1024xf32, #tpu.memory_space<hbm>>
    %dma_wait3A_70 = arith.constant 0 : i32
    %dma_wait3A_71 = tpu.memref_slice %arg2[%add3A_67, %dma_wait3A_70] : memref<32768x1024xf32, #tpu.memory_space<hbm>> -> memref<16x1024xf32, #tpu.memory_space<hbm>>
    tpu.wait_dma2 semaphore(%arg16 : memref<!tpu.dma_semaphore, #tpu.memory_space<semaphore_mem>>) src(%dma_wait3A_71 : memref<16x1024xf32, #tpu.memory_space<hbm>>) dst(%arg10 : memref<16x1024xf32, #tpu.memory_space<vmem>>)
    %add3A_72 = arith.constant 0 : i32
    %add3A_73 = arith.addi %mul3A_2, %add3A_72 : i32
    %dma_wait3A_74 = arith.constant 0 : i32
    %dma_wait3A_75 = tpu.memref_slice %arg5[%add3A_73, %dma_wait3A_74] : memref<32768x1024xf32, #tpu.memory_space<hbm>> -> memref<16x1024xf32, #tpu.memory_space<hbm>>
    %dma_wait3A_76 = arith.constant 0 : i32
    %dma_wait3A_77 = tpu.memref_slice %arg5[%add3A_73, %dma_wait3A_76] : memref<32768x1024xf32, #tpu.memory_space<hbm>> -> memref<16x1024xf32, #tpu.memory_space<hbm>>
    tpu.wait_dma2 semaphore(%arg18 : memref<!tpu.dma_semaphore, #tpu.memory_space<semaphore_mem>>) src(%arg12 : memref<16x1024xf32, #tpu.memory_space<vmem>>) dst(%dma_wait3A_77 : memref<16x1024xf32, #tpu.memory_space<hbm>>)
    %parallel_loop3A_78 = arith.constant 0 : i32
    %parallel_loop3A_79 = arith.constant 16 : i32
    %parallel_loop3A_80 = arith.constant 1 : i32
    scf.for %parallel_loop3A_221 = %parallel_loop3A_78 to %parallel_loop3A_79 step %parallel_loop3A_80  : i32 {
      %parallel_loop3A_222 = arith.constant 32 : i32
      %parallel_loop3A_223 = vector.broadcast %parallel_loop3A_222 : i32 to vector<16xi32>
      %parallel_loop3A_224 = vector.broadcast %parallel_loop3A_221 : i32 to vector<16xi32>
      %parallel_loop3A_225 = arith.addi %parallel_loop3A_223, %parallel_loop3A_224 : vector<16xi32>
      %parallel_loop3A_226 = tpu.vector_load_idx %arg7[%parallel_loop3A_225] : memref<1024xi32, #tpu.memory_space<vmem>>[vector<16xi32>], vector<16xi32>,
      %parallel_loop3A_227 = arith.constant 1024 : i32
      %parallel_loop3A_228 = vector.broadcast %parallel_loop3A_227 : i32 to vector<16xi32>
      %parallel_loop3A_229 = arith.muli %parallel_loop3A_226, %parallel_loop3A_228 : vector<16xi32>
      %parallel_loop3A_230 = arith.addi %parallel_loop3A_229, %iota3A : vector<16xi32>
      %parallel_loop3A_231 = arith.constant 0 : i32
      %parallel_loop3A_232 = arith.constant 64 : i32
      %parallel_loop3A_233 = arith.constant 1 : i32
      scf.for %parallel_loop3A_234 = %parallel_loop3A_231 to %parallel_loop3A_232 step %parallel_loop3A_233  : i32 {
        %parallel_loop3A_235 = arith.constant 16 : i32
        %parallel_loop3A_236 = arith.muli %parallel_loop3A_234, %parallel_loop3A_235 : i32
        %parallel_loop3A_237 = vector.broadcast %parallel_loop3A_236 : i32 to vector<16xi32>
        %parallel_loop3A_238 = arith.addi %parallel_loop3A_230, %parallel_loop3A_237 : vector<16xi32>
        %parallel_loop3A_239 = tpu.vector_load_idx %arg6[%parallel_loop3A_238] : memref<16384xf32, #tpu.memory_space<vmem>>[vector<16xi32>], vector<16xf32>,
        %parallel_loop3A_240 = arith.constant 16 : i32
        %parallel_loop3A_241 = arith.muli %parallel_loop3A_234, %parallel_loop3A_240 : i32
        %parallel_loop3A_242 = arith.index_cast %parallel_loop3A_221 : i32 to index
        %parallel_loop3A_243 = arith.index_cast %parallel_loop3A_241 : i32 to index
        %parallel_loop3A_244 = tpu.vector_load %arg10[%parallel_loop3A_242, %parallel_loop3A_243] {strides = array<i32>} : memref<16x1024xf32, #tpu.memory_space<vmem>>, vector<16xf32>,
        %parallel_loop3A_245 = arith.addf %parallel_loop3A_244, %parallel_loop3A_239 : vector<16xf32>
        %parallel_loop3A_246 = arith.index_cast %parallel_loop3A_221 : i32 to index
        %parallel_loop3A_247 = arith.index_cast %parallel_loop3A_241 : i32 to index
        %parallel_loop3A_248 = tpu.vector_load %arg12[%parallel_loop3A_246, %parallel_loop3A_247] {strides = array<i32>} : memref<16x1024xf32, #tpu.memory_space<vmem>>, vector<16xf32>,
        tpu.vector_store %arg12[%parallel_loop3A_246, %parallel_loop3A_247], %parallel_loop3A_245 {strides = array<i32>} : memref<16x1024xf32, #tpu.memory_space<vmem>>, vector<16xf32>,
      } {sc.loop_unroll_factor = 8 : i64, sc.parallel_access}
    } {sc.loop_unroll_factor = 1 : i64, sc.parallel_access}
    %add3A_81 = arith.constant 32 : i32
    %add3A_82 = arith.addi %mul3A_2, %add3A_81 : i32
    %dma_start3A_83 = arith.constant 0 : i32
    %dma_start3A_84 = tpu.memref_slice %arg5[%add3A_82, %dma_start3A_83] : memref<32768x1024xf32, #tpu.memory_space<hbm>> -> memref<16x1024xf32, #tpu.memory_space<hbm>>
    %dma_start3A_85 = arith.constant 0 : i32
    %dma_start3A_86 = tpu.memref_slice %arg5[%add3A_82, %dma_start3A_85] : memref<32768x1024xf32, #tpu.memory_space<hbm>> -> memref<16x1024xf32, #tpu.memory_space<hbm>>
    tpu.enqueue_dma source(%arg12 : memref<16x1024xf32, #tpu.memory_space<vmem>>) target(%dma_start3A_86 : memref<16x1024xf32, #tpu.memory_space<hbm>>) target_semaphore(%arg18 : memref<!tpu.dma_semaphore, #tpu.memory_space<semaphore_mem>>)
    %add3A_87 = arith.constant 96 : i32
    %add3A_88 = arith.addi %mul3A_2, %add3A_87 : i32
    %dma_start3A_89 = arith.constant 0 : i32
    %dma_start3A_90 = tpu.memref_slice %arg2[%add3A_88, %dma_start3A_89] : memref<32768x1024xf32, #tpu.memory_space<hbm>> -> memref<16x1024xf32, #tpu.memory_space<hbm>>
    %dma_start3A_91 = arith.constant 0 : i32
    %dma_start3A_92 = tpu.memref_slice %arg2[%add3A_88, %dma_start3A_91] : memref<32768x1024xf32, #tpu.memory_space<hbm>> -> memref<16x1024xf32, #tpu.memory_space<hbm>>
    tpu.enqueue_dma source(%dma_start3A_92 : memref<16x1024xf32, #tpu.memory_space<hbm>>) target(%arg10 : memref<16x1024xf32, #tpu.memory_space<vmem>>) target_semaphore(%arg16 : memref<!tpu.dma_semaphore, #tpu.memory_space<semaphore_mem>>)
    %add3A_93 = arith.constant 48 : i32
    %add3A_94 = arith.addi %mul3A_2, %add3A_93 : i32
    %dma_wait3A_95 = arith.constant 0 : i32
    %dma_wait3A_96 = tpu.memref_slice %arg2[%add3A_94, %dma_wait3A_95] : memref<32768x1024xf32, #tpu.memory_space<hbm>> -> memref<16x1024xf32, #tpu.memory_space<hbm>>
    %dma_wait3A_97 = arith.constant 0 : i32
    %dma_wait3A_98 = tpu.memref_slice %arg2[%add3A_94, %dma_wait3A_97] : memref<32768x1024xf32, #tpu.memory_space<hbm>> -> memref<16x1024xf32, #tpu.memory_space<hbm>>
    tpu.wait_dma2 semaphore(%arg17 : memref<!tpu.dma_semaphore, #tpu.memory_space<semaphore_mem>>) src(%dma_wait3A_98 : memref<16x1024xf32, #tpu.memory_space<hbm>>) dst(%arg11 : memref<16x1024xf32, #tpu.memory_space<vmem>>)
    %add3A_99 = arith.constant 16 : i32
    %add3A_100 = arith.addi %mul3A_2, %add3A_99 : i32
    %dma_wait3A_101 = arith.constant 0 : i32
    %dma_wait3A_102 = tpu.memref_slice %arg5[%add3A_100, %dma_wait3A_101] : memref<32768x1024xf32, #tpu.memory_space<hbm>> -> memref<16x1024xf32, #tpu.memory_space<hbm>>
    %dma_wait3A_103 = arith.constant 0 : i32
    %dma_wait3A_104 = tpu.memref_slice %arg5[%add3A_100, %dma_wait3A_103] : memref<32768x1024xf32, #tpu.memory_space<hbm>> -> memref<16x1024xf32, #tpu.memory_space<hbm>>
    tpu.wait_dma2 semaphore(%arg19 : memref<!tpu.dma_semaphore, #tpu.memory_space<semaphore_mem>>) src(%arg13 : memref<16x1024xf32, #tpu.memory_space<vmem>>) dst(%dma_wait3A_104 : memref<16x1024xf32, #tpu.memory_space<hbm>>)
    %parallel_loop3A_105 = arith.constant 0 : i32
    %parallel_loop3A_106 = arith.constant 16 : i32
    %parallel_loop3A_107 = arith.constant 1 : i32
    scf.for %parallel_loop3A_221 = %parallel_loop3A_105 to %parallel_loop3A_106 step %parallel_loop3A_107  : i32 {
      %parallel_loop3A_222 = arith.constant 48 : i32
      %parallel_loop3A_223 = vector.broadcast %parallel_loop3A_222 : i32 to vector<16xi32>
      %parallel_loop3A_224 = vector.broadcast %parallel_loop3A_221 : i32 to vector<16xi32>
      %parallel_loop3A_225 = arith.addi %parallel_loop3A_223, %parallel_loop3A_224 : vector<16xi32>
      %parallel_loop3A_226 = tpu.vector_load_idx %arg7[%parallel_loop3A_225] : memref<1024xi32, #tpu.memory_space<vmem>>[vector<16xi32>], vector<16xi32>,
      %parallel_loop3A_227 = arith.constant 1024 : i32
      %parallel_loop3A_228 = vector.broadcast %parallel_loop3A_227 : i32 to vector<16xi32>
      %parallel_loop3A_229 = arith.muli %parallel_loop3A_226, %parallel_loop3A_228 : vector<16xi32>
      %parallel_loop3A_230 = arith.addi %parallel_loop3A_229, %iota3A : vector<16xi32>
      %parallel_loop3A_231 = arith.constant 0 : i32
      %parallel_loop3A_232 = arith.constant 64 : i32
      %parallel_loop3A_233 = arith.constant 1 : i32
      scf.for %parallel_loop3A_234 = %parallel_loop3A_231 to %parallel_loop3A_232 step %parallel_loop3A_233  : i32 {
        %parallel_loop3A_235 = arith.constant 16 : i32
        %parallel_loop3A_236 = arith.muli %parallel_loop3A_234, %parallel_loop3A_235 : i32
        %parallel_loop3A_237 = vector.broadcast %parallel_loop3A_236 : i32 to vector<16xi32>
        %parallel_loop3A_238 = arith.addi %parallel_loop3A_230, %parallel_loop3A_237 : vector<16xi32>
        %parallel_loop3A_239 = tpu.vector_load_idx %arg6[%parallel_loop3A_238] : memref<16384xf32, #tpu.memory_space<vmem>>[vector<16xi32>], vector<16xf32>,
        %parallel_loop3A_240 = arith.constant 16 : i32
        %parallel_loop3A_241 = arith.muli %parallel_loop3A_234, %parallel_loop3A_240 : i32
        %parallel_loop3A_242 = arith.index_cast %parallel_loop3A_221 : i32 to index
        %parallel_loop3A_243 = arith.index_cast %parallel_loop3A_241 : i32 to index
        %parallel_loop3A_244 = tpu.vector_load %arg11[%parallel_loop3A_242, %parallel_loop3A_243] {strides = array<i32>} : memref<16x1024xf32, #tpu.memory_space<vmem>>, vector<16xf32>,
        %parallel_loop3A_245 = arith.addf %parallel_loop3A_244, %parallel_loop3A_239 : vector<16xf32>
        %parallel_loop3A_246 = arith.index_cast %parallel_loop3A_221 : i32 to index
        %parallel_loop3A_247 = arith.index_cast %parallel_loop3A_241 : i32 to index
        %parallel_loop3A_248 = tpu.vector_load %arg13[%parallel_loop3A_246, %parallel_loop3A_247] {strides = array<i32>} : memref<16x1024xf32, #tpu.memory_space<vmem>>, vector<16xf32>,
        tpu.vector_store %arg13[%parallel_loop3A_246, %parallel_loop3A_247], %parallel_loop3A_245 {strides = array<i32>} : memref<16x1024xf32, #tpu.memory_space<vmem>>, vector<16xf32>,
      } {sc.loop_unroll_factor = 8 : i64, sc.parallel_access}
    } {sc.loop_unroll_factor = 1 : i64, sc.parallel_access}
    %add3A_108 = arith.constant 48 : i32
    %add3A_109 = arith.addi %mul3A_2, %add3A_108 : i32
    %dma_start3A_110 = arith.constant 0 : i32
    %dma_start3A_111 = tpu.memref_slice %arg5[%add3A_109, %dma_start3A_110] : memref<32768x1024xf32, #tpu.memory_space<hbm>> -> memref<16x1024xf32, #tpu.memory_space<hbm>>
    %dma_start3A_112 = arith.constant 0 : i32
    %dma_start3A_113 = tpu.memref_slice %arg5[%add3A_109, %dma_start3A_112] : memref<32768x1024xf32, #tpu.memory_space<hbm>> -> memref<16x1024xf32, #tpu.memory_space<hbm>>
    tpu.enqueue_dma source(%arg13 : memref<16x1024xf32, #tpu.memory_space<vmem>>) target(%dma_start3A_113 : memref<16x1024xf32, #tpu.memory_space<hbm>>) target_semaphore(%arg19 : memref<!tpu.dma_semaphore, #tpu.memory_space<semaphore_mem>>)
    %add3A_114 = arith.constant 112 : i32
    %add3A_115 = arith.addi %mul3A_2, %add3A_114 : i32
    %dma_start3A_116 = arith.constant 0 : i32
    %dma_start3A_117 = tpu.memref_slice %arg2[%add3A_115, %dma_start3A_116] : memref<32768x1024xf32, #tpu.memory_space<hbm>> -> memref<16x1024xf32, #tpu.memory_space<hbm>>
    %dma_start3A_118 = arith.constant 0 : i32
    %dma_start3A_119 = tpu.memref_slice %arg2[%add3A_115, %dma_start3A_118] : memref<32768x1024xf32, #tpu.memory_space<hbm>> -> memref<16x1024xf32, #tpu.memory_space<hbm>>
    tpu.enqueue_dma source(%dma_start3A_119 : memref<16x1024xf32, #tpu.memory_space<hbm>>) target(%arg11 : memref<16x1024xf32, #tpu.memory_space<vmem>>) target_semaphore(%arg17 : memref<!tpu.dma_semaphore, #tpu.memory_space<semaphore_mem>>)
    %scan3A = arith.constant 0 : i32
    %scan3A_120 = arith.constant 1 : i32
    %scan3A_121 = arith.constant 14 : i32
    %scan3A_122 = arith.addi %scan3A_120, %scan3A_121 : i32
    %scan3A_123 = arith.constant 1 : i32
    scf.for %scan3A_221 = %scan3A_120 to %scan3A_122 step %scan3A_123  : i32 {
      %mul3A_222 = arith.constant 4 : i32
      %mul3A_223 = arith.muli %scan3A_221, %mul3A_222 : i32
      %add3A_224 = arith.constant 0 : i32
      %add3A_225 = arith.addi %mul3A_223, %add3A_224 : i32
      %mul3A_226 = arith.constant 16 : i32
      %mul3A_227 = arith.muli %add3A_225, %mul3A_226 : i32
      %add3A_228 = arith.addi %mul3A_2, %mul3A_227 : i32
      %dma_wait3A_229 = arith.constant 0 : i32
      %dma_wait3A_230 = tpu.memref_slice %arg2[%add3A_228, %dma_wait3A_229] : memref<32768x1024xf32, #tpu.memory_space<hbm>> -> memref<16x1024xf32, #tpu.memory_space<hbm>>
      %dma_wait3A_231 = arith.constant 0 : i32
      %dma_wait3A_232 = tpu.memref_slice %arg2[%add3A_228, %dma_wait3A_231] : memref<32768x1024xf32, #tpu.memory_space<hbm>> -> memref<16x1024xf32, #tpu.memory_space<hbm>>
      tpu.wait_dma2 semaphore(%arg14 : memref<!tpu.dma_semaphore, #tpu.memory_space<semaphore_mem>>) src(%dma_wait3A_232 : memref<16x1024xf32, #tpu.memory_space<hbm>>) dst(%arg8 : memref<16x1024xf32, #tpu.memory_space<vmem>>)
      %sub3A = arith.constant 2 : i32
      %sub3A_233 = arith.subi %add3A_225, %sub3A : i32
      %mul3A_234 = arith.constant 16 : i32
      %mul3A_235 = arith.muli %sub3A_233, %mul3A_234 : i32
      %add3A_236 = arith.addi %mul3A_2, %mul3A_235 : i32
      %dma_wait3A_237 = arith.constant 0 : i32
      %dma_wait3A_238 = tpu.memref_slice %arg5[%add3A_236, %dma_wait3A_237] : memref<32768x1024xf32, #tpu.memory_space<hbm>> -> memref<16x1024xf32, #tpu.memory_space<hbm>>
      %dma_wait3A_239 = arith.constant 0 : i32
      %dma_wait3A_240 = tpu.memref_slice %arg5[%add3A_236, %dma_wait3A_239] : memref<32768x1024xf32, #tpu.memory_space<hbm>> -> memref<16x1024xf32, #tpu.memory_space<hbm>>
      tpu.wait_dma2 semaphore(%arg18 : memref<!tpu.dma_semaphore, #tpu.memory_space<semaphore_mem>>) src(%arg12 : memref<16x1024xf32, #tpu.memory_space<vmem>>) dst(%dma_wait3A_240 : memref<16x1024xf32, #tpu.memory_space<hbm>>)
      %mul3A_241 = arith.constant 16 : i32
      %mul3A_242 = arith.muli %add3A_225, %mul3A_241 : i32
      %parallel_loop3A_243 = arith.constant 0 : i32
      %parallel_loop3A_244 = arith.constant 16 : i32
      %parallel_loop3A_245 = arith.constant 1 : i32
      scf.for %parallel_loop3A_379 = %parallel_loop3A_243 to %parallel_loop3A_244 step %parallel_loop3A_245  : i32 {
        %parallel_loop3A_380 = vector.broadcast %mul3A_242 : i32 to vector<16xi32>
        %parallel_loop3A_381 = vector.broadcast %parallel_loop3A_379 : i32 to vector<16xi32>
        %parallel_loop3A_382 = arith.addi %parallel_loop3A_380, %parallel_loop3A_381 : vector<16xi32>
        %parallel_loop3A_383 = tpu.vector_load_idx %arg7[%parallel_loop3A_382] : memref<1024xi32, #tpu.memory_space<vmem>>[vector<16xi32>], vector<16xi32>,
        %parallel_loop3A_384 = arith.constant 1024 : i32
        %parallel_loop3A_385 = vector.broadcast %parallel_loop3A_384 : i32 to vector<16xi32>
        %parallel_loop3A_386 = arith.muli %parallel_loop3A_383, %parallel_loop3A_385 : vector<16xi32>
        %parallel_loop3A_387 = arith.addi %parallel_loop3A_386, %iota3A : vector<16xi32>
        %parallel_loop3A_388 = arith.constant 0 : i32
        %parallel_loop3A_389 = arith.constant 64 : i32
        %parallel_loop3A_390 = arith.constant 1 : i32
        scf.for %parallel_loop3A_391 = %parallel_loop3A_388 to %parallel_loop3A_389 step %parallel_loop3A_390  : i32 {
          %parallel_loop3A_392 = arith.constant 16 : i32
          %parallel_loop3A_393 = arith.muli %parallel_loop3A_391, %parallel_loop3A_392 : i32
          %parallel_loop3A_394 = vector.broadcast %parallel_loop3A_393 : i32 to vector<16xi32>
          %parallel_loop3A_395 = arith.addi %parallel_loop3A_387, %parallel_loop3A_394 : vector<16xi32>
          %parallel_loop3A_396 = tpu.vector_load_idx %arg6[%parallel_loop3A_395] : memref<16384xf32, #tpu.memory_space<vmem>>[vector<16xi32>], vector<16xf32>,
          %parallel_loop3A_397 = arith.constant 16 : i32
          %parallel_loop3A_398 = arith.muli %parallel_loop3A_391, %parallel_loop3A_397 : i32
          %parallel_loop3A_399 = arith.index_cast %parallel_loop3A_379 : i32 to index
          %parallel_loop3A_400 = arith.index_cast %parallel_loop3A_398 : i32 to index
          %parallel_loop3A_401 = tpu.vector_load %arg8[%parallel_loop3A_399, %parallel_loop3A_400] {strides = array<i32>} : memref<16x1024xf32, #tpu.memory_space<vmem>>, vector<16xf32>,
          %parallel_loop3A_402 = arith.addf %parallel_loop3A_401, %parallel_loop3A_396 : vector<16xf32>
          %parallel_loop3A_403 = arith.index_cast %parallel_loop3A_379 : i32 to index
          %parallel_loop3A_404 = arith.index_cast %parallel_loop3A_398 : i32 to index
          %parallel_loop3A_405 = tpu.vector_load %arg12[%parallel_loop3A_403, %parallel_loop3A_404] {strides = array<i32>} : memref<16x1024xf32, #tpu.memory_space<vmem>>, vector<16xf32>,
          tpu.vector_store %arg12[%parallel_loop3A_403, %parallel_loop3A_404], %parallel_loop3A_402 {strides = array<i32>} : memref<16x1024xf32, #tpu.memory_space<vmem>>, vector<16xf32>,
        } {sc.loop_unroll_factor = 8 : i64, sc.parallel_access}
      } {sc.loop_unroll_factor = 1 : i64, sc.parallel_access}
      %mul3A_246 = arith.constant 16 : i32
      %mul3A_247 = arith.muli %add3A_225, %mul3A_246 : i32
      %add3A_248 = arith.addi %mul3A_2, %mul3A_247 : i32
      %dma_start3A_249 = arith.constant 0 : i32
      %dma_start3A_250 = tpu.memref_slice %arg5[%add3A_248, %dma_start3A_249] : memref<32768x1024xf32, #tpu.memory_space<hbm>> -> memref<16x1024xf32, #tpu.memory_space<hbm>>
      %dma_start3A_251 = arith.constant 0 : i32
      %dma_start3A_252 = tpu.memref_slice %arg5[%add3A_248, %dma_start3A_251] : memref<32768x1024xf32, #tpu.memory_space<hbm>> -> memref<16x1024xf32, #tpu.memory_space<hbm>>
      tpu.enqueue_dma source(%arg12 : memref<16x1024xf32, #tpu.memory_space<vmem>>) target(%dma_start3A_252 : memref<16x1024xf32, #tpu.memory_space<hbm>>) target_semaphore(%arg18 : memref<!tpu.dma_semaphore, #tpu.memory_space<semaphore_mem>>)
      %add3A_253 = arith.constant 4 : i32
      %add3A_254 = arith.addi %add3A_225, %add3A_253 : i32
      %mul3A_255 = arith.constant 16 : i32
      %mul3A_256 = arith.muli %add3A_254, %mul3A_255 : i32
      %add3A_257 = arith.addi %mul3A_2, %mul3A_256 : i32
      %dma_start3A_258 = arith.constant 0 : i32
      %dma_start3A_259 = tpu.memref_slice %arg2[%add3A_257, %dma_start3A_258] : memref<32768x1024xf32, #tpu.memory_space<hbm>> -> memref<16x1024xf32, #tpu.memory_space<hbm>>
      %dma_start3A_260 = arith.constant 0 : i32
      %dma_start3A_261 = tpu.memref_slice %arg2[%add3A_257, %dma_start3A_260] : memref<32768x1024xf32, #tpu.memory_space<hbm>> -> memref<16x1024xf32, #tpu.memory_space<hbm>>
      tpu.enqueue_dma source(%dma_start3A_261 : memref<16x1024xf32, #tpu.memory_space<hbm>>) target(%arg8 : memref<16x1024xf32, #tpu.memory_space<vmem>>) target_semaphore(%arg14 : memref<!tpu.dma_semaphore, #tpu.memory_space<semaphore_mem>>)
      %add3A_262 = arith.constant 1 : i32
      %add3A_263 = arith.addi %mul3A_223, %add3A_262 : i32
      %mul3A_264 = arith.constant 16 : i32
      %mul3A_265 = arith.muli %add3A_263, %mul3A_264 : i32
      %add3A_266 = arith.addi %mul3A_2, %mul3A_265 : i32
      %dma_wait3A_267 = arith.constant 0 : i32
      %dma_wait3A_268 = tpu.memref_slice %arg2[%add3A_266, %dma_wait3A_267] : memref<32768x1024xf32, #tpu.memory_space<hbm>> -> memref<16x1024xf32, #tpu.memory_space<hbm>>
      %dma_wait3A_269 = arith.constant 0 : i32
      %dma_wait3A_270 = tpu.memref_slice %arg2[%add3A_266, %dma_wait3A_269] : memref<32768x1024xf32, #tpu.memory_space<hbm>> -> memref<16x1024xf32, #tpu.memory_space<hbm>>
      tpu.wait_dma2 semaphore(%arg15 : memref<!tpu.dma_semaphore, #tpu.memory_space<semaphore_mem>>) src(%dma_wait3A_270 : memref<16x1024xf32, #tpu.memory_space<hbm>>) dst(%arg9 : memref<16x1024xf32, #tpu.memory_space<vmem>>)
      %sub3A_271 = arith.constant 2 : i32
      %sub3A_272 = arith.subi %add3A_263, %sub3A_271 : i32
      %mul3A_273 = arith.constant 16 : i32
      %mul3A_274 = arith.muli %sub3A_272, %mul3A_273 : i32
      %add3A_275 = arith.addi %mul3A_2, %mul3A_274 : i32
      %dma_wait3A_276 = arith.constant 0 : i32
      %dma_wait3A_277 = tpu.memref_slice %arg5[%add3A_275, %dma_wait3A_276] : memref<32768x1024xf32, #tpu.memory_space<hbm>> -> memref<16x1024xf32, #tpu.memory_space<hbm>>
      %dma_wait3A_278 = arith.constant 0 : i32
      %dma_wait3A_279 = tpu.memref_slice %arg5[%add3A_275, %dma_wait3A_278] : memref<32768x1024xf32, #tpu.memory_space<hbm>> -> memref<16x1024xf32, #tpu.memory_space<hbm>>
      tpu.wait_dma2 semaphore(%arg19 : memref<!tpu.dma_semaphore, #tpu.memory_space<semaphore_mem>>) src(%arg13 : memref<16x1024xf32, #tpu.memory_space<vmem>>) dst(%dma_wait3A_279 : memref<16x1024xf32, #tpu.memory_space<hbm>>)
      %mul3A_280 = arith.constant 16 : i32
      %mul3A_281 = arith.muli %add3A_263, %mul3A_280 : i32
      %parallel_loop3A_282 = arith.constant 0 : i32
      %parallel_loop3A_283 = arith.constant 16 : i32
      %parallel_loop3A_284 = arith.constant 1 : i32
      scf.for %parallel_loop3A_379 = %parallel_loop3A_282 to %parallel_loop3A_283 step %parallel_loop3A_284  : i32 {
        %parallel_loop3A_380 = vector.broadcast %mul3A_281 : i32 to vector<16xi32>
        %parallel_loop3A_381 = vector.broadcast %parallel_loop3A_379 : i32 to vector<16xi32>
        %parallel_loop3A_382 = arith.addi %parallel_loop3A_380, %parallel_loop3A_381 : vector<16xi32>
        %parallel_loop3A_383 = tpu.vector_load_idx %arg7[%parallel_loop3A_382] : memref<1024xi32, #tpu.memory_space<vmem>>[vector<16xi32>], vector<16xi32>,
        %parallel_loop3A_384 = arith.constant 1024 : i32
        %parallel_loop3A_385 = vector.broadcast %parallel_loop3A_384 : i32 to vector<16xi32>
        %parallel_loop3A_386 = arith.muli %parallel_loop3A_383, %parallel_loop3A_385 : vector<16xi32>
        %parallel_loop3A_387 = arith.addi %parallel_loop3A_386, %iota3A : vector<16xi32>
        %parallel_loop3A_388 = arith.constant 0 : i32
        %parallel_loop3A_389 = arith.constant 64 : i32
        %parallel_loop3A_390 = arith.constant 1 : i32
        scf.for %parallel_loop3A_391 = %parallel_loop3A_388 to %parallel_loop3A_389 step %parallel_loop3A_390  : i32 {
          %parallel_loop3A_392 = arith.constant 16 : i32
          %parallel_loop3A_393 = arith.muli %parallel_loop3A_391, %parallel_loop3A_392 : i32
          %parallel_loop3A_394 = vector.broadcast %parallel_loop3A_393 : i32 to vector<16xi32>
          %parallel_loop3A_395 = arith.addi %parallel_loop3A_387, %parallel_loop3A_394 : vector<16xi32>
          %parallel_loop3A_396 = tpu.vector_load_idx %arg6[%parallel_loop3A_395] : memref<16384xf32, #tpu.memory_space<vmem>>[vector<16xi32>], vector<16xf32>,
          %parallel_loop3A_397 = arith.constant 16 : i32
          %parallel_loop3A_398 = arith.muli %parallel_loop3A_391, %parallel_loop3A_397 : i32
          %parallel_loop3A_399 = arith.index_cast %parallel_loop3A_379 : i32 to index
          %parallel_loop3A_400 = arith.index_cast %parallel_loop3A_398 : i32 to index
          %parallel_loop3A_401 = tpu.vector_load %arg9[%parallel_loop3A_399, %parallel_loop3A_400] {strides = array<i32>} : memref<16x1024xf32, #tpu.memory_space<vmem>>, vector<16xf32>,
          %parallel_loop3A_402 = arith.addf %parallel_loop3A_401, %parallel_loop3A_396 : vector<16xf32>
          %parallel_loop3A_403 = arith.index_cast %parallel_loop3A_379 : i32 to index
          %parallel_loop3A_404 = arith.index_cast %parallel_loop3A_398 : i32 to index
          %parallel_loop3A_405 = tpu.vector_load %arg13[%parallel_loop3A_403, %parallel_loop3A_404] {strides = array<i32>} : memref<16x1024xf32, #tpu.memory_space<vmem>>, vector<16xf32>,
          tpu.vector_store %arg13[%parallel_loop3A_403, %parallel_loop3A_404], %parallel_loop3A_402 {strides = array<i32>} : memref<16x1024xf32, #tpu.memory_space<vmem>>, vector<16xf32>,
        } {sc.loop_unroll_factor = 8 : i64, sc.parallel_access}
      } {sc.loop_unroll_factor = 1 : i64, sc.parallel_access}
      %mul3A_285 = arith.constant 16 : i32
      %mul3A_286 = arith.muli %add3A_263, %mul3A_285 : i32
      %add3A_287 = arith.addi %mul3A_2, %mul3A_286 : i32
      %dma_start3A_288 = arith.constant 0 : i32
      %dma_start3A_289 = tpu.memref_slice %arg5[%add3A_287, %dma_start3A_288] : memref<32768x1024xf32, #tpu.memory_space<hbm>> -> memref<16x1024xf32, #tpu.memory_space<hbm>>
      %dma_start3A_290 = arith.constant 0 : i32
      %dma_start3A_291 = tpu.memref_slice %arg5[%add3A_287, %dma_start3A_290] : memref<32768x1024xf32, #tpu.memory_space<hbm>> -> memref<16x1024xf32, #tpu.memory_space<hbm>>
      tpu.enqueue_dma source(%arg13 : memref<16x1024xf32, #tpu.memory_space<vmem>>) target(%dma_start3A_291 : memref<16x1024xf32, #tpu.memory_space<hbm>>) target_semaphore(%arg19 : memref<!tpu.dma_semaphore, #tpu.memory_space<semaphore_mem>>)
      %add3A_292 = arith.constant 4 : i32
      %add3A_293 = arith.addi %add3A_263, %add3A_292 : i32
      %mul3A_294 = arith.constant 16 : i32
      %mul3A_295 = arith.muli %add3A_293, %mul3A_294 : i32
      %add3A_296 = arith.addi %mul3A_2, %mul3A_295 : i32
      %dma_start3A_297 = arith.constant 0 : i32
      %dma_start3A_298 = tpu.memref_slice %arg2[%add3A_296, %dma_start3A_297] : memref<32768x1024xf32, #tpu.memory_space<hbm>> -> memref<16x1024xf32, #tpu.memory_space<hbm>>
      %dma_start3A_299 = arith.constant 0 : i32
      %dma_start3A_300 = tpu.memref_slice %arg2[%add3A_296, %dma_start3A_299] : memref<32768x1024xf32, #tpu.memory_space<hbm>> -> memref<16x1024xf32, #tpu.memory_space<hbm>>
      tpu.enqueue_dma source(%dma_start3A_300 : memref<16x1024xf32, #tpu.memory_space<hbm>>) target(%arg9 : memref<16x1024xf32, #tpu.memory_space<vmem>>) target_semaphore(%arg15 : memref<!tpu.dma_semaphore, #tpu.memory_space<semaphore_mem>>)
      %add3A_301 = arith.constant 2 : i32
      %add3A_302 = arith.addi %mul3A_223, %add3A_301 : i32
      %mul3A_303 = arith.constant 16 : i32
      %mul3A_304 = arith.muli %add3A_302, %mul3A_303 : i32
      %add3A_305 = arith.addi %mul3A_2, %mul3A_304 : i32
      %dma_wait3A_306 = arith.constant 0 : i32
      %dma_wait3A_307 = tpu.memref_slice %arg2[%add3A_305, %dma_wait3A_306] : memref<32768x1024xf32, #tpu.memory_space<hbm>> -> memref<16x1024xf32, #tpu.memory_space<hbm>>
      %dma_wait3A_308 = arith.constant 0 : i32
      %dma_wait3A_309 = tpu.memref_slice %arg2[%add3A_305, %dma_wait3A_308] : memref<32768x1024xf32, #tpu.memory_space<hbm>> -> memref<16x1024xf32, #tpu.memory_space<hbm>>
      tpu.wait_dma2 semaphore(%arg16 : memref<!tpu.dma_semaphore, #tpu.memory_space<semaphore_mem>>) src(%dma_wait3A_309 : memref<16x1024xf32, #tpu.memory_space<hbm>>) dst(%arg10 : memref<16x1024xf32, #tpu.memory_space<vmem>>)
      %sub3A_310 = arith.constant 2 : i32
      %sub3A_311 = arith.subi %add3A_302, %sub3A_310 : i32
      %mul3A_312 = arith.constant 16 : i32
      %mul3A_313 = arith.muli %sub3A_311, %mul3A_312 : i32
      %add3A_314 = arith.addi %mul3A_2, %mul3A_313 : i32
      %dma_wait3A_315 = arith.constant 0 : i32
      %dma_wait3A_316 = tpu.memref_slice %arg5[%add3A_314, %dma_wait3A_315] : memref<32768x1024xf32, #tpu.memory_space<hbm>> -> memref<16x1024xf32, #tpu.memory_space<hbm>>
      %dma_wait3A_317 = arith.constant 0 : i32
      %dma_wait3A_318 = tpu.memref_slice %arg5[%add3A_314, %dma_wait3A_317] : memref<32768x1024xf32, #tpu.memory_space<hbm>> -> memref<16x1024xf32, #tpu.memory_space<hbm>>
      tpu.wait_dma2 semaphore(%arg18 : memref<!tpu.dma_semaphore, #tpu.memory_space<semaphore_mem>>) src(%arg12 : memref<16x1024xf32, #tpu.memory_space<vmem>>) dst(%dma_wait3A_318 : memref<16x1024xf32, #tpu.memory_space<hbm>>)
      %mul3A_319 = arith.constant 16 : i32
      %mul3A_320 = arith.muli %add3A_302, %mul3A_319 : i32
      %parallel_loop3A_321 = arith.constant 0 : i32
      %parallel_loop3A_322 = arith.constant 16 : i32
      %parallel_loop3A_323 = arith.constant 1 : i32
      scf.for %parallel_loop3A_379 = %parallel_loop3A_321 to %parallel_loop3A_322 step %parallel_loop3A_323  : i32 {
        %parallel_loop3A_380 = vector.broadcast %mul3A_320 : i32 to vector<16xi32>
        %parallel_loop3A_381 = vector.broadcast %parallel_loop3A_379 : i32 to vector<16xi32>
        %parallel_loop3A_382 = arith.addi %parallel_loop3A_380, %parallel_loop3A_381 : vector<16xi32>
        %parallel_loop3A_383 = tpu.vector_load_idx %arg7[%parallel_loop3A_382] : memref<1024xi32, #tpu.memory_space<vmem>>[vector<16xi32>], vector<16xi32>,
        %parallel_loop3A_384 = arith.constant 1024 : i32
        %parallel_loop3A_385 = vector.broadcast %parallel_loop3A_384 : i32 to vector<16xi32>
        %parallel_loop3A_386 = arith.muli %parallel_loop3A_383, %parallel_loop3A_385 : vector<16xi32>
        %parallel_loop3A_387 = arith.addi %parallel_loop3A_386, %iota3A : vector<16xi32>
        %parallel_loop3A_388 = arith.constant 0 : i32
        %parallel_loop3A_389 = arith.constant 64 : i32
        %parallel_loop3A_390 = arith.constant 1 : i32
        scf.for %parallel_loop3A_391 = %parallel_loop3A_388 to %parallel_loop3A_389 step %parallel_loop3A_390  : i32 {
          %parallel_loop3A_392 = arith.constant 16 : i32
          %parallel_loop3A_393 = arith.muli %parallel_loop3A_391, %parallel_loop3A_392 : i32
          %parallel_loop3A_394 = vector.broadcast %parallel_loop3A_393 : i32 to vector<16xi32>
          %parallel_loop3A_395 = arith.addi %parallel_loop3A_387, %parallel_loop3A_394 : vector<16xi32>
          %parallel_loop3A_396 = tpu.vector_load_idx %arg6[%parallel_loop3A_395] : memref<16384xf32, #tpu.memory_space<vmem>>[vector<16xi32>], vector<16xf32>,
          %parallel_loop3A_397 = arith.constant 16 : i32
          %parallel_loop3A_398 = arith.muli %parallel_loop3A_391, %parallel_loop3A_397 : i32
          %parallel_loop3A_399 = arith.index_cast %parallel_loop3A_379 : i32 to index
          %parallel_loop3A_400 = arith.index_cast %parallel_loop3A_398 : i32 to index
          %parallel_loop3A_401 = tpu.vector_load %arg10[%parallel_loop3A_399, %parallel_loop3A_400] {strides = array<i32>} : memref<16x1024xf32, #tpu.memory_space<vmem>>, vector<16xf32>,
          %parallel_loop3A_402 = arith.addf %parallel_loop3A_401, %parallel_loop3A_396 : vector<16xf32>
          %parallel_loop3A_403 = arith.index_cast %parallel_loop3A_379 : i32 to index
          %parallel_loop3A_404 = arith.index_cast %parallel_loop3A_398 : i32 to index
          %parallel_loop3A_405 = tpu.vector_load %arg12[%parallel_loop3A_403, %parallel_loop3A_404] {strides = array<i32>} : memref<16x1024xf32, #tpu.memory_space<vmem>>, vector<16xf32>,
          tpu.vector_store %arg12[%parallel_loop3A_403, %parallel_loop3A_404], %parallel_loop3A_402 {strides = array<i32>} : memref<16x1024xf32, #tpu.memory_space<vmem>>, vector<16xf32>,
        } {sc.loop_unroll_factor = 8 : i64, sc.parallel_access}
      } {sc.loop_unroll_factor = 1 : i64, sc.parallel_access}
      %mul3A_324 = arith.constant 16 : i32
      %mul3A_325 = arith.muli %add3A_302, %mul3A_324 : i32
      %add3A_326 = arith.addi %mul3A_2, %mul3A_325 : i32
      %dma_start3A_327 = arith.constant 0 : i32
      %dma_start3A_328 = tpu.memref_slice %arg5[%add3A_326, %dma_start3A_327] : memref<32768x1024xf32, #tpu.memory_space<hbm>> -> memref<16x1024xf32, #tpu.memory_space<hbm>>
      %dma_start3A_329 = arith.constant 0 : i32
      %dma_start3A_330 = tpu.memref_slice %arg5[%add3A_326, %dma_start3A_329] : memref<32768x1024xf32, #tpu.memory_space<hbm>> -> memref<16x1024xf32, #tpu.memory_space<hbm>>
      tpu.enqueue_dma source(%arg12 : memref<16x1024xf32, #tpu.memory_space<vmem>>) target(%dma_start3A_330 : memref<16x1024xf32, #tpu.memory_space<hbm>>) target_semaphore(%arg18 : memref<!tpu.dma_semaphore, #tpu.memory_space<semaphore_mem>>)
      %add3A_331 = arith.constant 4 : i32
      %add3A_332 = arith.addi %add3A_302, %add3A_331 : i32
      %mul3A_333 = arith.constant 16 : i32
      %mul3A_334 = arith.muli %add3A_332, %mul3A_333 : i32
      %add3A_335 = arith.addi %mul3A_2, %mul3A_334 : i32
      %dma_start3A_336 = arith.constant 0 : i32
      %dma_start3A_337 = tpu.memref_slice %arg2[%add3A_335, %dma_start3A_336] : memref<32768x1024xf32, #tpu.memory_space<hbm>> -> memref<16x1024xf32, #tpu.memory_space<hbm>>
      %dma_start3A_338 = arith.constant 0 : i32
      %dma_start3A_339 = tpu.memref_slice %arg2[%add3A_335, %dma_start3A_338] : memref<32768x1024xf32, #tpu.memory_space<hbm>> -> memref<16x1024xf32, #tpu.memory_space<hbm>>
      tpu.enqueue_dma source(%dma_start3A_339 : memref<16x1024xf32, #tpu.memory_space<hbm>>) target(%arg10 : memref<16x1024xf32, #tpu.memory_space<vmem>>) target_semaphore(%arg16 : memref<!tpu.dma_semaphore, #tpu.memory_space<semaphore_mem>>)
      %add3A_340 = arith.constant 3 : i32
      %add3A_341 = arith.addi %mul3A_223, %add3A_340 : i32
      %mul3A_342 = arith.constant 16 : i32
      %mul3A_343 = arith.muli %add3A_341, %mul3A_342 : i32
      %add3A_344 = arith.addi %mul3A_2, %mul3A_343 : i32
      %dma_wait3A_345 = arith.constant 0 : i32
      %dma_wait3A_346 = tpu.memref_slice %arg2[%add3A_344, %dma_wait3A_345] : memref<32768x1024xf32, #tpu.memory_space<hbm>> -> memref<16x1024xf32, #tpu.memory_space<hbm>>
      %dma_wait3A_347 = arith.constant 0 : i32
      %dma_wait3A_348 = tpu.memref_slice %arg2[%add3A_344, %dma_wait3A_347] : memref<32768x1024xf32, #tpu.memory_space<hbm>> -> memref<16x1024xf32, #tpu.memory_space<hbm>>
      tpu.wait_dma2 semaphore(%arg17 : memref<!tpu.dma_semaphore, #tpu.memory_space<semaphore_mem>>) src(%dma_wait3A_348 : memref<16x1024xf32, #tpu.memory_space<hbm>>) dst(%arg11 : memref<16x1024xf32, #tpu.memory_space<vmem>>)
      %sub3A_349 = arith.constant 2 : i32
      %sub3A_350 = arith.subi %add3A_341, %sub3A_349 : i32
      %mul3A_351 = arith.constant 16 : i32
      %mul3A_352 = arith.muli %sub3A_350, %mul3A_351 : i32
      %add3A_353 = arith.addi %mul3A_2, %mul3A_352 : i32
      %dma_wait3A_354 = arith.constant 0 : i32
      %dma_wait3A_355 = tpu.memref_slice %arg5[%add3A_353, %dma_wait3A_354] : memref<32768x1024xf32, #tpu.memory_space<hbm>> -> memref<16x1024xf32, #tpu.memory_space<hbm>>
      %dma_wait3A_356 = arith.constant 0 : i32
      %dma_wait3A_357 = tpu.memref_slice %arg5[%add3A_353, %dma_wait3A_356] : memref<32768x1024xf32, #tpu.memory_space<hbm>> -> memref<16x1024xf32, #tpu.memory_space<hbm>>
      tpu.wait_dma2 semaphore(%arg19 : memref<!tpu.dma_semaphore, #tpu.memory_space<semaphore_mem>>) src(%arg13 : memref<16x1024xf32, #tpu.memory_space<vmem>>) dst(%dma_wait3A_357 : memref<16x1024xf32, #tpu.memory_space<hbm>>)
      %mul3A_358 = arith.constant 16 : i32
      %mul3A_359 = arith.muli %add3A_341, %mul3A_358 : i32
      %parallel_loop3A_360 = arith.constant 0 : i32
      %parallel_loop3A_361 = arith.constant 16 : i32
      %parallel_loop3A_362 = arith.constant 1 : i32
      scf.for %parallel_loop3A_379 = %parallel_loop3A_360 to %parallel_loop3A_361 step %parallel_loop3A_362  : i32 {
        %parallel_loop3A_380 = vector.broadcast %mul3A_359 : i32 to vector<16xi32>
        %parallel_loop3A_381 = vector.broadcast %parallel_loop3A_379 : i32 to vector<16xi32>
        %parallel_loop3A_382 = arith.addi %parallel_loop3A_380, %parallel_loop3A_381 : vector<16xi32>
        %parallel_loop3A_383 = tpu.vector_load_idx %arg7[%parallel_loop3A_382] : memref<1024xi32, #tpu.memory_space<vmem>>[vector<16xi32>], vector<16xi32>,
        %parallel_loop3A_384 = arith.constant 1024 : i32
        %parallel_loop3A_385 = vector.broadcast %parallel_loop3A_384 : i32 to vector<16xi32>
        %parallel_loop3A_386 = arith.muli %parallel_loop3A_383, %parallel_loop3A_385 : vector<16xi32>
        %parallel_loop3A_387 = arith.addi %parallel_loop3A_386, %iota3A : vector<16xi32>
        %parallel_loop3A_388 = arith.constant 0 : i32
        %parallel_loop3A_389 = arith.constant 64 : i32
        %parallel_loop3A_390 = arith.constant 1 : i32
        scf.for %parallel_loop3A_391 = %parallel_loop3A_388 to %parallel_loop3A_389 step %parallel_loop3A_390  : i32 {
          %parallel_loop3A_392 = arith.constant 16 : i32
          %parallel_loop3A_393 = arith.muli %parallel_loop3A_391, %parallel_loop3A_392 : i32
          %parallel_loop3A_394 = vector.broadcast %parallel_loop3A_393 : i32 to vector<16xi32>
          %parallel_loop3A_395 = arith.addi %parallel_loop3A_387, %parallel_loop3A_394 : vector<16xi32>
          %parallel_loop3A_396 = tpu.vector_load_idx %arg6[%parallel_loop3A_395] : memref<16384xf32, #tpu.memory_space<vmem>>[vector<16xi32>], vector<16xf32>,
          %parallel_loop3A_397 = arith.constant 16 : i32
          %parallel_loop3A_398 = arith.muli %parallel_loop3A_391, %parallel_loop3A_397 : i32
          %parallel_loop3A_399 = arith.index_cast %parallel_loop3A_379 : i32 to index
          %parallel_loop3A_400 = arith.index_cast %parallel_loop3A_398 : i32 to index
          %parallel_loop3A_401 = tpu.vector_load %arg11[%parallel_loop3A_399, %parallel_loop3A_400] {strides = array<i32>} : memref<16x1024xf32, #tpu.memory_space<vmem>>, vector<16xf32>,
          %parallel_loop3A_402 = arith.addf %parallel_loop3A_401, %parallel_loop3A_396 : vector<16xf32>
          %parallel_loop3A_403 = arith.index_cast %parallel_loop3A_379 : i32 to index
          %parallel_loop3A_404 = arith.index_cast %parallel_loop3A_398 : i32 to index
          %parallel_loop3A_405 = tpu.vector_load %arg13[%parallel_loop3A_403, %parallel_loop3A_404] {strides = array<i32>} : memref<16x1024xf32, #tpu.memory_space<vmem>>, vector<16xf32>,
          tpu.vector_store %arg13[%parallel_loop3A_403, %parallel_loop3A_404], %parallel_loop3A_402 {strides = array<i32>} : memref<16x1024xf32, #tpu.memory_space<vmem>>, vector<16xf32>,
        } {sc.loop_unroll_factor = 8 : i64, sc.parallel_access}
      } {sc.loop_unroll_factor = 1 : i64, sc.parallel_access}
      %mul3A_363 = arith.constant 16 : i32
      %mul3A_364 = arith.muli %add3A_341, %mul3A_363 : i32
      %add3A_365 = arith.addi %mul3A_2, %mul3A_364 : i32
      %dma_start3A_366 = arith.constant 0 : i32
      %dma_start3A_367 = tpu.memref_slice %arg5[%add3A_365, %dma_start3A_366] : memref<32768x1024xf32, #tpu.memory_space<hbm>> -> memref<16x1024xf32, #tpu.memory_space<hbm>>
      %dma_start3A_368 = arith.constant 0 : i32
      %dma_start3A_369 = tpu.memref_slice %arg5[%add3A_365, %dma_start3A_368] : memref<32768x1024xf32, #tpu.memory_space<hbm>> -> memref<16x1024xf32, #tpu.memory_space<hbm>>
      tpu.enqueue_dma source(%arg13 : memref<16x1024xf32, #tpu.memory_space<vmem>>) target(%dma_start3A_369 : memref<16x1024xf32, #tpu.memory_space<hbm>>) target_semaphore(%arg19 : memref<!tpu.dma_semaphore, #tpu.memory_space<semaphore_mem>>)
      %add3A_370 = arith.constant 4 : i32
      %add3A_371 = arith.addi %add3A_341, %add3A_370 : i32
      %mul3A_372 = arith.constant 16 : i32
      %mul3A_373 = arith.muli %add3A_371, %mul3A_372 : i32
      %add3A_374 = arith.addi %mul3A_2, %mul3A_373 : i32
      %dma_start3A_375 = arith.constant 0 : i32
      %dma_start3A_376 = tpu.memref_slice %arg2[%add3A_374, %dma_start3A_375] : memref<32768x1024xf32, #tpu.memory_space<hbm>> -> memref<16x1024xf32, #tpu.memory_space<hbm>>
      %dma_start3A_377 = arith.constant 0 : i32
      %dma_start3A_378 = tpu.memref_slice %arg2[%add3A_374, %dma_start3A_377] : memref<32768x1024xf32, #tpu.memory_space<hbm>> -> memref<16x1024xf32, #tpu.memory_space<hbm>>
      tpu.enqueue_dma source(%dma_start3A_378 : memref<16x1024xf32, #tpu.memory_space<hbm>>) target(%arg11 : memref<16x1024xf32, #tpu.memory_space<vmem>>) target_semaphore(%arg17 : memref<!tpu.dma_semaphore, #tpu.memory_space<semaphore_mem>>)
    }
    %scan3A_124 = arith.constant 14 : i32
    %add3A_125 = arith.constant 960 : i32
    %add3A_126 = arith.addi %mul3A_2, %add3A_125 : i32
    %dma_wait3A_127 = arith.constant 0 : i32
    %dma_wait3A_128 = tpu.memref_slice %arg2[%add3A_126, %dma_wait3A_127] : memref<32768x1024xf32, #tpu.memory_space<hbm>> -> memref<16x1024xf32, #tpu.memory_space<hbm>>
    %dma_wait3A_129 = arith.constant 0 : i32
    %dma_wait3A_130 = tpu.memref_slice %arg2[%add3A_126, %dma_wait3A_129] : memref<32768x1024xf32, #tpu.memory_space<hbm>> -> memref<16x1024xf32, #tpu.memory_space<hbm>>
    tpu.wait_dma2 semaphore(%arg14 : memref<!tpu.dma_semaphore, #tpu.memory_space<semaphore_mem>>) src(%dma_wait3A_130 : memref<16x1024xf32, #tpu.memory_space<hbm>>) dst(%arg8 : memref<16x1024xf32, #tpu.memory_space<vmem>>)
    %add3A_131 = arith.constant 928 : i32
    %add3A_132 = arith.addi %mul3A_2, %add3A_131 : i32
    %dma_wait3A_133 = arith.constant 0 : i32
    %dma_wait3A_134 = tpu.memref_slice %arg5[%add3A_132, %dma_wait3A_133] : memref<32768x1024xf32, #tpu.memory_space<hbm>> -> memref<16x1024xf32, #tpu.memory_space<hbm>>
    %dma_wait3A_135 = arith.constant 0 : i32
    %dma_wait3A_136 = tpu.memref_slice %arg5[%add3A_132, %dma_wait3A_135] : memref<32768x1024xf32, #tpu.memory_space<hbm>> -> memref<16x1024xf32, #tpu.memory_space<hbm>>
    tpu.wait_dma2 semaphore(%arg18 : memref<!tpu.dma_semaphore, #tpu.memory_space<semaphore_mem>>) src(%arg12 : memref<16x1024xf32, #tpu.memory_space<vmem>>) dst(%dma_wait3A_136 : memref<16x1024xf32, #tpu.memory_space<hbm>>)
    %parallel_loop3A_137 = arith.constant 0 : i32
    %parallel_loop3A_138 = arith.constant 16 : i32
    %parallel_loop3A_139 = arith.constant 1 : i32
    scf.for %parallel_loop3A_221 = %parallel_loop3A_137 to %parallel_loop3A_138 step %parallel_loop3A_139  : i32 {
      %parallel_loop3A_222 = arith.constant 960 : i32
      %parallel_loop3A_223 = vector.broadcast %parallel_loop3A_222 : i32 to vector<16xi32>
      %parallel_loop3A_224 = vector.broadcast %parallel_loop3A_221 : i32 to vector<16xi32>
      %parallel_loop3A_225 = arith.addi %parallel_loop3A_223, %parallel_loop3A_224 : vector<16xi32>
      %parallel_loop3A_226 = tpu.vector_load_idx %arg7[%parallel_loop3A_225] : memref<1024xi32, #tpu.memory_space<vmem>>[vector<16xi32>], vector<16xi32>,
      %parallel_loop3A_227 = arith.constant 1024 : i32
      %parallel_loop3A_228 = vector.broadcast %parallel_loop3A_227 : i32 to vector<16xi32>
      %parallel_loop3A_229 = arith.muli %parallel_loop3A_226, %parallel_loop3A_228 : vector<16xi32>
      %parallel_loop3A_230 = arith.addi %parallel_loop3A_229, %iota3A : vector<16xi32>
      %parallel_loop3A_231 = arith.constant 0 : i32
      %parallel_loop3A_232 = arith.constant 64 : i32
      %parallel_loop3A_233 = arith.constant 1 : i32
      scf.for %parallel_loop3A_234 = %parallel_loop3A_231 to %parallel_loop3A_232 step %parallel_loop3A_233  : i32 {
        %parallel_loop3A_235 = arith.constant 16 : i32
        %parallel_loop3A_236 = arith.muli %parallel_loop3A_234, %parallel_loop3A_235 : i32
        %parallel_loop3A_237 = vector.broadcast %parallel_loop3A_236 : i32 to vector<16xi32>
        %parallel_loop3A_238 = arith.addi %parallel_loop3A_230, %parallel_loop3A_237 : vector<16xi32>
        %parallel_loop3A_239 = tpu.vector_load_idx %arg6[%parallel_loop3A_238] : memref<16384xf32, #tpu.memory_space<vmem>>[vector<16xi32>], vector<16xf32>,
        %parallel_loop3A_240 = arith.constant 16 : i32
        %parallel_loop3A_241 = arith.muli %parallel_loop3A_234, %parallel_loop3A_240 : i32
        %parallel_loop3A_242 = arith.index_cast %parallel_loop3A_221 : i32 to index
        %parallel_loop3A_243 = arith.index_cast %parallel_loop3A_241 : i32 to index
        %parallel_loop3A_244 = tpu.vector_load %arg8[%parallel_loop3A_242, %parallel_loop3A_243] {strides = array<i32>} : memref<16x1024xf32, #tpu.memory_space<vmem>>, vector<16xf32>,
        %parallel_loop3A_245 = arith.addf %parallel_loop3A_244, %parallel_loop3A_239 : vector<16xf32>
        %parallel_loop3A_246 = arith.index_cast %parallel_loop3A_221 : i32 to index
        %parallel_loop3A_247 = arith.index_cast %parallel_loop3A_241 : i32 to index
        %parallel_loop3A_248 = tpu.vector_load %arg12[%parallel_loop3A_246, %parallel_loop3A_247] {strides = array<i32>} : memref<16x1024xf32, #tpu.memory_space<vmem>>, vector<16xf32>,
        tpu.vector_store %arg12[%parallel_loop3A_246, %parallel_loop3A_247], %parallel_loop3A_245 {strides = array<i32>} : memref<16x1024xf32, #tpu.memory_space<vmem>>, vector<16xf32>,
      } {sc.loop_unroll_factor = 8 : i64, sc.parallel_access}
    } {sc.loop_unroll_factor = 1 : i64, sc.parallel_access}
    %add3A_140 = arith.constant 960 : i32
    %add3A_141 = arith.addi %mul3A_2, %add3A_140 : i32
    %dma_start3A_142 = arith.constant 0 : i32
    %dma_start3A_143 = tpu.memref_slice %arg5[%add3A_141, %dma_start3A_142] : memref<32768x1024xf32, #tpu.memory_space<hbm>> -> memref<16x1024xf32, #tpu.memory_space<hbm>>
    %dma_start3A_144 = arith.constant 0 : i32
    %dma_start3A_145 = tpu.memref_slice %arg5[%add3A_141, %dma_start3A_144] : memref<32768x1024xf32, #tpu.memory_space<hbm>> -> memref<16x1024xf32, #tpu.memory_space<hbm>>
    tpu.enqueue_dma source(%arg12 : memref<16x1024xf32, #tpu.memory_space<vmem>>) target(%dma_start3A_145 : memref<16x1024xf32, #tpu.memory_space<hbm>>) target_semaphore(%arg18 : memref<!tpu.dma_semaphore, #tpu.memory_space<semaphore_mem>>)
    %add3A_146 = arith.constant 976 : i32
    %add3A_147 = arith.addi %mul3A_2, %add3A_146 : i32
    %dma_wait3A_148 = arith.constant 0 : i32
    %dma_wait3A_149 = tpu.memref_slice %arg2[%add3A_147, %dma_wait3A_148] : memref<32768x1024xf32, #tpu.memory_space<hbm>> -> memref<16x1024xf32, #tpu.memory_space<hbm>>
    %dma_wait3A_150 = arith.constant 0 : i32
    %dma_wait3A_151 = tpu.memref_slice %arg2[%add3A_147, %dma_wait3A_150] : memref<32768x1024xf32, #tpu.memory_space<hbm>> -> memref<16x1024xf32, #tpu.memory_space<hbm>>
    tpu.wait_dma2 semaphore(%arg15 : memref<!tpu.dma_semaphore, #tpu.memory_space<semaphore_mem>>) src(%dma_wait3A_151 : memref<16x1024xf32, #tpu.memory_space<hbm>>) dst(%arg9 : memref<16x1024xf32, #tpu.memory_space<vmem>>)
    %add3A_152 = arith.constant 944 : i32
    %add3A_153 = arith.addi %mul3A_2, %add3A_152 : i32
    %dma_wait3A_154 = arith.constant 0 : i32
    %dma_wait3A_155 = tpu.memref_slice %arg5[%add3A_153, %dma_wait3A_154] : memref<32768x1024xf32, #tpu.memory_space<hbm>> -> memref<16x1024xf32, #tpu.memory_space<hbm>>
    %dma_wait3A_156 = arith.constant 0 : i32
    %dma_wait3A_157 = tpu.memref_slice %arg5[%add3A_153, %dma_wait3A_156] : memref<32768x1024xf32, #tpu.memory_space<hbm>> -> memref<16x1024xf32, #tpu.memory_space<hbm>>
    tpu.wait_dma2 semaphore(%arg19 : memref<!tpu.dma_semaphore, #tpu.memory_space<semaphore_mem>>) src(%arg13 : memref<16x1024xf32, #tpu.memory_space<vmem>>) dst(%dma_wait3A_157 : memref<16x1024xf32, #tpu.memory_space<hbm>>)
    %parallel_loop3A_158 = arith.constant 0 : i32
    %parallel_loop3A_159 = arith.constant 16 : i32
    %parallel_loop3A_160 = arith.constant 1 : i32
    scf.for %parallel_loop3A_221 = %parallel_loop3A_158 to %parallel_loop3A_159 step %parallel_loop3A_160  : i32 {
      %parallel_loop3A_222 = arith.constant 976 : i32
      %parallel_loop3A_223 = vector.broadcast %parallel_loop3A_222 : i32 to vector<16xi32>
      %parallel_loop3A_224 = vector.broadcast %parallel_loop3A_221 : i32 to vector<16xi32>
      %parallel_loop3A_225 = arith.addi %parallel_loop3A_223, %parallel_loop3A_224 : vector<16xi32>
      %parallel_loop3A_226 = tpu.vector_load_idx %arg7[%parallel_loop3A_225] : memref<1024xi32, #tpu.memory_space<vmem>>[vector<16xi32>], vector<16xi32>,
      %parallel_loop3A_227 = arith.constant 1024 : i32
      %parallel_loop3A_228 = vector.broadcast %parallel_loop3A_227 : i32 to vector<16xi32>
      %parallel_loop3A_229 = arith.muli %parallel_loop3A_226, %parallel_loop3A_228 : vector<16xi32>
      %parallel_loop3A_230 = arith.addi %parallel_loop3A_229, %iota3A : vector<16xi32>
      %parallel_loop3A_231 = arith.constant 0 : i32
      %parallel_loop3A_232 = arith.constant 64 : i32
      %parallel_loop3A_233 = arith.constant 1 : i32
      scf.for %parallel_loop3A_234 = %parallel_loop3A_231 to %parallel_loop3A_232 step %parallel_loop3A_233  : i32 {
        %parallel_loop3A_235 = arith.constant 16 : i32
        %parallel_loop3A_236 = arith.muli %parallel_loop3A_234, %parallel_loop3A_235 : i32
        %parallel_loop3A_237 = vector.broadcast %parallel_loop3A_236 : i32 to vector<16xi32>
        %parallel_loop3A_238 = arith.addi %parallel_loop3A_230, %parallel_loop3A_237 : vector<16xi32>
        %parallel_loop3A_239 = tpu.vector_load_idx %arg6[%parallel_loop3A_238] : memref<16384xf32, #tpu.memory_space<vmem>>[vector<16xi32>], vector<16xf32>,
        %parallel_loop3A_240 = arith.constant 16 : i32
        %parallel_loop3A_241 = arith.muli %parallel_loop3A_234, %parallel_loop3A_240 : i32
        %parallel_loop3A_242 = arith.index_cast %parallel_loop3A_221 : i32 to index
        %parallel_loop3A_243 = arith.index_cast %parallel_loop3A_241 : i32 to index
        %parallel_loop3A_244 = tpu.vector_load %arg9[%parallel_loop3A_242, %parallel_loop3A_243] {strides = array<i32>} : memref<16x1024xf32, #tpu.memory_space<vmem>>, vector<16xf32>,
        %parallel_loop3A_245 = arith.addf %parallel_loop3A_244, %parallel_loop3A_239 : vector<16xf32>
        %parallel_loop3A_246 = arith.index_cast %parallel_loop3A_221 : i32 to index
        %parallel_loop3A_247 = arith.index_cast %parallel_loop3A_241 : i32 to index
        %parallel_loop3A_248 = tpu.vector_load %arg13[%parallel_loop3A_246, %parallel_loop3A_247] {strides = array<i32>} : memref<16x1024xf32, #tpu.memory_space<vmem>>, vector<16xf32>,
        tpu.vector_store %arg13[%parallel_loop3A_246, %parallel_loop3A_247], %parallel_loop3A_245 {strides = array<i32>} : memref<16x1024xf32, #tpu.memory_space<vmem>>, vector<16xf32>,
      } {sc.loop_unroll_factor = 8 : i64, sc.parallel_access}
    } {sc.loop_unroll_factor = 1 : i64, sc.parallel_access}
    %add3A_161 = arith.constant 976 : i32
    %add3A_162 = arith.addi %mul3A_2, %add3A_161 : i32
    %dma_start3A_163 = arith.constant 0 : i32
    %dma_start3A_164 = tpu.memref_slice %arg5[%add3A_162, %dma_start3A_163] : memref<32768x1024xf32, #tpu.memory_space<hbm>> -> memref<16x1024xf32, #tpu.memory_space<hbm>>
    %dma_start3A_165 = arith.constant 0 : i32
    %dma_start3A_166 = tpu.memref_slice %arg5[%add3A_162, %dma_start3A_165] : memref<32768x1024xf32, #tpu.memory_space<hbm>> -> memref<16x1024xf32, #tpu.memory_space<hbm>>
    tpu.enqueue_dma source(%arg13 : memref<16x1024xf32, #tpu.memory_space<vmem>>) target(%dma_start3A_166 : memref<16x1024xf32, #tpu.memory_space<hbm>>) target_semaphore(%arg19 : memref<!tpu.dma_semaphore, #tpu.memory_space<semaphore_mem>>)
    %add3A_167 = arith.constant 992 : i32
    %add3A_168 = arith.addi %mul3A_2, %add3A_167 : i32
    %dma_wait3A_169 = arith.constant 0 : i32
    %dma_wait3A_170 = tpu.memref_slice %arg2[%add3A_168, %dma_wait3A_169] : memref<32768x1024xf32, #tpu.memory_space<hbm>> -> memref<16x1024xf32, #tpu.memory_space<hbm>>
    %dma_wait3A_171 = arith.constant 0 : i32
    %dma_wait3A_172 = tpu.memref_slice %arg2[%add3A_168, %dma_wait3A_171] : memref<32768x1024xf32, #tpu.memory_space<hbm>> -> memref<16x1024xf32, #tpu.memory_space<hbm>>
    tpu.wait_dma2 semaphore(%arg16 : memref<!tpu.dma_semaphore, #tpu.memory_space<semaphore_mem>>) src(%dma_wait3A_172 : memref<16x1024xf32, #tpu.memory_space<hbm>>) dst(%arg10 : memref<16x1024xf32, #tpu.memory_space<vmem>>)
    %add3A_173 = arith.constant 960 : i32
    %add3A_174 = arith.addi %mul3A_2, %add3A_173 : i32
    %dma_wait3A_175 = arith.constant 0 : i32
    %dma_wait3A_176 = tpu.memref_slice %arg5[%add3A_174, %dma_wait3A_175] : memref<32768x1024xf32, #tpu.memory_space<hbm>> -> memref<16x1024xf32, #tpu.memory_space<hbm>>
    %dma_wait3A_177 = arith.constant 0 : i32
    %dma_wait3A_178 = tpu.memref_slice %arg5[%add3A_174, %dma_wait3A_177] : memref<32768x1024xf32, #tpu.memory_space<hbm>> -> memref<16x1024xf32, #tpu.memory_space<hbm>>
    tpu.wait_dma2 semaphore(%arg18 : memref<!tpu.dma_semaphore, #tpu.memory_space<semaphore_mem>>) src(%arg12 : memref<16x1024xf32, #tpu.memory_space<vmem>>) dst(%dma_wait3A_178 : memref<16x1024xf32, #tpu.memory_space<hbm>>)
    %parallel_loop3A_179 = arith.constant 0 : i32
    %parallel_loop3A_180 = arith.constant 16 : i32
    %parallel_loop3A_181 = arith.constant 1 : i32
    scf.for %parallel_loop3A_221 = %parallel_loop3A_179 to %parallel_loop3A_180 step %parallel_loop3A_181  : i32 {
      %parallel_loop3A_222 = arith.constant 992 : i32
      %parallel_loop3A_223 = vector.broadcast %parallel_loop3A_222 : i32 to vector<16xi32>
      %parallel_loop3A_224 = vector.broadcast %parallel_loop3A_221 : i32 to vector<16xi32>
      %parallel_loop3A_225 = arith.addi %parallel_loop3A_223, %parallel_loop3A_224 : vector<16xi32>
      %parallel_loop3A_226 = tpu.vector_load_idx %arg7[%parallel_loop3A_225] : memref<1024xi32, #tpu.memory_space<vmem>>[vector<16xi32>], vector<16xi32>,
      %parallel_loop3A_227 = arith.constant 1024 : i32
      %parallel_loop3A_228 = vector.broadcast %parallel_loop3A_227 : i32 to vector<16xi32>
      %parallel_loop3A_229 = arith.muli %parallel_loop3A_226, %parallel_loop3A_228 : vector<16xi32>
      %parallel_loop3A_230 = arith.addi %parallel_loop3A_229, %iota3A : vector<16xi32>
      %parallel_loop3A_231 = arith.constant 0 : i32
      %parallel_loop3A_232 = arith.constant 64 : i32
      %parallel_loop3A_233 = arith.constant 1 : i32
      scf.for %parallel_loop3A_234 = %parallel_loop3A_231 to %parallel_loop3A_232 step %parallel_loop3A_233  : i32 {
        %parallel_loop3A_235 = arith.constant 16 : i32
        %parallel_loop3A_236 = arith.muli %parallel_loop3A_234, %parallel_loop3A_235 : i32
        %parallel_loop3A_237 = vector.broadcast %parallel_loop3A_236 : i32 to vector<16xi32>
        %parallel_loop3A_238 = arith.addi %parallel_loop3A_230, %parallel_loop3A_237 : vector<16xi32>
        %parallel_loop3A_239 = tpu.vector_load_idx %arg6[%parallel_loop3A_238] : memref<16384xf32, #tpu.memory_space<vmem>>[vector<16xi32>], vector<16xf32>,
        %parallel_loop3A_240 = arith.constant 16 : i32
        %parallel_loop3A_241 = arith.muli %parallel_loop3A_234, %parallel_loop3A_240 : i32
        %parallel_loop3A_242 = arith.index_cast %parallel_loop3A_221 : i32 to index
        %parallel_loop3A_243 = arith.index_cast %parallel_loop3A_241 : i32 to index
        %parallel_loop3A_244 = tpu.vector_load %arg10[%parallel_loop3A_242, %parallel_loop3A_243] {strides = array<i32>} : memref<16x1024xf32, #tpu.memory_space<vmem>>, vector<16xf32>,
        %parallel_loop3A_245 = arith.addf %parallel_loop3A_244, %parallel_loop3A_239 : vector<16xf32>
        %parallel_loop3A_246 = arith.index_cast %parallel_loop3A_221 : i32 to index
        %parallel_loop3A_247 = arith.index_cast %parallel_loop3A_241 : i32 to index
        %parallel_loop3A_248 = tpu.vector_load %arg12[%parallel_loop3A_246, %parallel_loop3A_247] {strides = array<i32>} : memref<16x1024xf32, #tpu.memory_space<vmem>>, vector<16xf32>,
        tpu.vector_store %arg12[%parallel_loop3A_246, %parallel_loop3A_247], %parallel_loop3A_245 {strides = array<i32>} : memref<16x1024xf32, #tpu.memory_space<vmem>>, vector<16xf32>,
      } {sc.loop_unroll_factor = 8 : i64, sc.parallel_access}
    } {sc.loop_unroll_factor = 1 : i64, sc.parallel_access}
    %add3A_182 = arith.constant 992 : i32
    %add3A_183 = arith.addi %mul3A_2, %add3A_182 : i32
    %dma_start3A_184 = arith.constant 0 : i32
    %dma_start3A_185 = tpu.memref_slice %arg5[%add3A_183, %dma_start3A_184] : memref<32768x1024xf32, #tpu.memory_space<hbm>> -> memref<16x1024xf32, #tpu.memory_space<hbm>>
    %dma_start3A_186 = arith.constant 0 : i32
    %dma_start3A_187 = tpu.memref_slice %arg5[%add3A_183, %dma_start3A_186] : memref<32768x1024xf32, #tpu.memory_space<hbm>> -> memref<16x1024xf32, #tpu.memory_space<hbm>>
    tpu.enqueue_dma source(%arg12 : memref<16x1024xf32, #tpu.memory_space<vmem>>) target(%dma_start3A_187 : memref<16x1024xf32, #tpu.memory_space<hbm>>) target_semaphore(%arg18 : memref<!tpu.dma_semaphore, #tpu.memory_space<semaphore_mem>>)
    %add3A_188 = arith.constant 1008 : i32
    %add3A_189 = arith.addi %mul3A_2, %add3A_188 : i32
    %dma_wait3A_190 = arith.constant 0 : i32
    %dma_wait3A_191 = tpu.memref_slice %arg2[%add3A_189, %dma_wait3A_190] : memref<32768x1024xf32, #tpu.memory_space<hbm>> -> memref<16x1024xf32, #tpu.memory_space<hbm>>
    %dma_wait3A_192 = arith.constant 0 : i32
    %dma_wait3A_193 = tpu.memref_slice %arg2[%add3A_189, %dma_wait3A_192] : memref<32768x1024xf32, #tpu.memory_space<hbm>> -> memref<16x1024xf32, #tpu.memory_space<hbm>>
    tpu.wait_dma2 semaphore(%arg17 : memref<!tpu.dma_semaphore, #tpu.memory_space<semaphore_mem>>) src(%dma_wait3A_193 : memref<16x1024xf32, #tpu.memory_space<hbm>>) dst(%arg11 : memref<16x1024xf32, #tpu.memory_space<vmem>>)
    %add3A_194 = arith.constant 976 : i32
    %add3A_195 = arith.addi %mul3A_2, %add3A_194 : i32
    %dma_wait3A_196 = arith.constant 0 : i32
    %dma_wait3A_197 = tpu.memref_slice %arg5[%add3A_195, %dma_wait3A_196] : memref<32768x1024xf32, #tpu.memory_space<hbm>> -> memref<16x1024xf32, #tpu.memory_space<hbm>>
    %dma_wait3A_198 = arith.constant 0 : i32
    %dma_wait3A_199 = tpu.memref_slice %arg5[%add3A_195, %dma_wait3A_198] : memref<32768x1024xf32, #tpu.memory_space<hbm>> -> memref<16x1024xf32, #tpu.memory_space<hbm>>
    tpu.wait_dma2 semaphore(%arg19 : memref<!tpu.dma_semaphore, #tpu.memory_space<semaphore_mem>>) src(%arg13 : memref<16x1024xf32, #tpu.memory_space<vmem>>) dst(%dma_wait3A_199 : memref<16x1024xf32, #tpu.memory_space<hbm>>)
    %parallel_loop3A_200 = arith.constant 0 : i32
    %parallel_loop3A_201 = arith.constant 16 : i32
    %parallel_loop3A_202 = arith.constant 1 : i32
    scf.for %parallel_loop3A_221 = %parallel_loop3A_200 to %parallel_loop3A_201 step %parallel_loop3A_202  : i32 {
      %parallel_loop3A_222 = arith.constant 1008 : i32
      %parallel_loop3A_223 = vector.broadcast %parallel_loop3A_222 : i32 to vector<16xi32>
      %parallel_loop3A_224 = vector.broadcast %parallel_loop3A_221 : i32 to vector<16xi32>
      %parallel_loop3A_225 = arith.addi %parallel_loop3A_223, %parallel_loop3A_224 : vector<16xi32>
      %parallel_loop3A_226 = tpu.vector_load_idx %arg7[%parallel_loop3A_225] : memref<1024xi32, #tpu.memory_space<vmem>>[vector<16xi32>], vector<16xi32>,
      %parallel_loop3A_227 = arith.constant 1024 : i32
      %parallel_loop3A_228 = vector.broadcast %parallel_loop3A_227 : i32 to vector<16xi32>
      %parallel_loop3A_229 = arith.muli %parallel_loop3A_226, %parallel_loop3A_228 : vector<16xi32>
      %parallel_loop3A_230 = arith.addi %parallel_loop3A_229, %iota3A : vector<16xi32>
      %parallel_loop3A_231 = arith.constant 0 : i32
      %parallel_loop3A_232 = arith.constant 64 : i32
      %parallel_loop3A_233 = arith.constant 1 : i32
      scf.for %parallel_loop3A_234 = %parallel_loop3A_231 to %parallel_loop3A_232 step %parallel_loop3A_233  : i32 {
        %parallel_loop3A_235 = arith.constant 16 : i32
        %parallel_loop3A_236 = arith.muli %parallel_loop3A_234, %parallel_loop3A_235 : i32
        %parallel_loop3A_237 = vector.broadcast %parallel_loop3A_236 : i32 to vector<16xi32>
        %parallel_loop3A_238 = arith.addi %parallel_loop3A_230, %parallel_loop3A_237 : vector<16xi32>
        %parallel_loop3A_239 = tpu.vector_load_idx %arg6[%parallel_loop3A_238] : memref<16384xf32, #tpu.memory_space<vmem>>[vector<16xi32>], vector<16xf32>,
        %parallel_loop3A_240 = arith.constant 16 : i32
        %parallel_loop3A_241 = arith.muli %parallel_loop3A_234, %parallel_loop3A_240 : i32
        %parallel_loop3A_242 = arith.index_cast %parallel_loop3A_221 : i32 to index
        %parallel_loop3A_243 = arith.index_cast %parallel_loop3A_241 : i32 to index
        %parallel_loop3A_244 = tpu.vector_load %arg11[%parallel_loop3A_242, %parallel_loop3A_243] {strides = array<i32>} : memref<16x1024xf32, #tpu.memory_space<vmem>>, vector<16xf32>,
        %parallel_loop3A_245 = arith.addf %parallel_loop3A_244, %parallel_loop3A_239 : vector<16xf32>
        %parallel_loop3A_246 = arith.index_cast %parallel_loop3A_221 : i32 to index
        %parallel_loop3A_247 = arith.index_cast %parallel_loop3A_241 : i32 to index
        %parallel_loop3A_248 = tpu.vector_load %arg13[%parallel_loop3A_246, %parallel_loop3A_247] {strides = array<i32>} : memref<16x1024xf32, #tpu.memory_space<vmem>>, vector<16xf32>,
        tpu.vector_store %arg13[%parallel_loop3A_246, %parallel_loop3A_247], %parallel_loop3A_245 {strides = array<i32>} : memref<16x1024xf32, #tpu.memory_space<vmem>>, vector<16xf32>,
      } {sc.loop_unroll_factor = 8 : i64, sc.parallel_access}
    } {sc.loop_unroll_factor = 1 : i64, sc.parallel_access}
    %add3A_203 = arith.constant 1008 : i32
    %add3A_204 = arith.addi %mul3A_2, %add3A_203 : i32
    %dma_start3A_205 = arith.constant 0 : i32
    %dma_start3A_206 = tpu.memref_slice %arg5[%add3A_204, %dma_start3A_205] : memref<32768x1024xf32, #tpu.memory_space<hbm>> -> memref<16x1024xf32, #tpu.memory_space<hbm>>
    %dma_start3A_207 = arith.constant 0 : i32
    %dma_start3A_208 = tpu.memref_slice %arg5[%add3A_204, %dma_start3A_207] : memref<32768x1024xf32, #tpu.memory_space<hbm>> -> memref<16x1024xf32, #tpu.memory_space<hbm>>
    tpu.enqueue_dma source(%arg13 : memref<16x1024xf32, #tpu.memory_space<vmem>>) target(%dma_start3A_208 : memref<16x1024xf32, #tpu.memory_space<hbm>>) target_semaphore(%arg19 : memref<!tpu.dma_semaphore, #tpu.memory_space<semaphore_mem>>)
    %add3A_209 = arith.constant 992 : i32
    %add3A_210 = arith.addi %mul3A_2, %add3A_209 : i32
    %dma_wait3A_211 = arith.constant 0 : i32
    %dma_wait3A_212 = tpu.memref_slice %arg5[%add3A_210, %dma_wait3A_211] : memref<32768x1024xf32, #tpu.memory_space<hbm>> -> memref<16x1024xf32, #tpu.memory_space<hbm>>
    %dma_wait3A_213 = arith.constant 0 : i32
    %dma_wait3A_214 = tpu.memref_slice %arg5[%add3A_210, %dma_wait3A_213] : memref<32768x1024xf32, #tpu.memory_space<hbm>> -> memref<16x1024xf32, #tpu.memory_space<hbm>>
    tpu.wait_dma2 semaphore(%arg18 : memref<!tpu.dma_semaphore, #tpu.memory_space<semaphore_mem>>) src(%arg12 : memref<16x1024xf32, #tpu.memory_space<vmem>>) dst(%dma_wait3A_214 : memref<16x1024xf32, #tpu.memory_space<hbm>>)
    %add3A_215 = arith.constant 1008 : i32
    %add3A_216 = arith.addi %mul3A_2, %add3A_215 : i32
    %dma_wait3A_217 = arith.constant 0 : i32
    %dma_wait3A_218 = tpu.memref_slice %arg5[%add3A_216, %dma_wait3A_217] : memref<32768x1024xf32, #tpu.memory_space<hbm>> -> memref<16x1024xf32, #tpu.memory_space<hbm>>
    %dma_wait3A_219 = arith.constant 0 : i32
    %dma_wait3A_220 = tpu.memref_slice %arg5[%add3A_216, %dma_wait3A_219] : memref<32768x1024xf32, #tpu.memory_space<hbm>> -> memref<16x1024xf32, #tpu.memory_space<hbm>>
    tpu.wait_dma2 semaphore(%arg19 : memref<!tpu.dma_semaphore, #tpu.memory_space<semaphore_mem>>) src(%arg13 : memref<16x1024xf32, #tpu.memory_space<vmem>>) dst(%dma_wait3A_220 : memref<16x1024xf32, #tpu.memory_space<hbm>>)
    return
  }
}

</mosaic_0001>

<sc_bundles>
// kernel: kernel.3.cloned.1.call-start
scs
__scs_entry_jumppad:
0x0: {  	(pc) =	sbr.rel $0x88, $3  }
0x1: {  	(tag) =	ssettag $0x0;
	lr =	simm.s32 $0x1  }
0x2: {  	[smem:$0x3F9E] =	sst lr;
	_ =	strace $0xD0000000  }
0x3: {  	_ = 	snop  }
0x4: {  	_ = 	snop  }
0x5: {  	_ = 	snop  }
0x6: {  	_ = 	snop  }
0x7: {  	_ = 	snop  }
__scs_overlays_trampoline_lowered:
0x8: {  	[smem:$0x3FAD] =	sst s0  }
0x9: {  	[smem:$0x3FAE] =	sst s1  }
0xa: {  	[smem:$0x3FAF] =	sst s2  }
0xb: {  	[smem:$0x3FB0] =	sst s3  }
0xc: {  	[smem:$0x3FB1] =	sst s4  }
0xd: {  	[smem:$0x3FB2] =	sst s5  }
0xe: {  	[smem:$0x3FB3] =	sst s6  }
0xf: {  	[smem:$0x3FB4] =	sst s7  }
0x10: {  	[smem:$0x3FB5] =	sst s8  }
0x11: {  	[smem:$0x3FB6] =	sst s9;
	s0 =	simm.s32 @!p0 $0x0  }
0x12: {  	s1 =	sld [smem:$0x3F9C];
	s0 =	simm.s32 @p0 $0x1  }
0x13: {  	[smem:$0x3FB7] =	sst s0;
	s0 =	simm.s32 @!p1 $0x0  }
0x14: {  	s2 =	sld [smem:$0x3F9B];
	s0 =	simm.s32 @p1 $0x1  }
0x15: {  	[smem:$0x3FB8] =	sst s0;
	s0 =	simm.s32 @!p2 $0x0  }
0x16: {  	s3 =	sld [smem:$0x3FDB];
	s0 =	simm.s32 @p2 $0x1  }
0x17: {  	s4 =	simm.s32 $0x1BF5;
	[smem:$0x3FBA] =	sst s0  }
0x18: {  	s0 =	sld [smem:$0x3F9D];
	_ =	swait.ge [sflag:s4], $0x0  }
0x19: {  	s7 =	sld [smem:$0x3F9E]  }
0x1a: {  	s8 =	sadd.s32 $0xFFFFE003, lr  }
0x1b: {  	s9 =	sadd.s32 $0xFFFFFEF7, lr;
	s5 =	simm.s32 $0xFFFFFFFF;
	p2 =	slt.u32 s8, $0xFFFFF086  }
0x1c: {  	p1 =	slt.u32 s9, $0xF7A;
	s5 =	simm.s32 @!p2 $0x0  }
0x1d: {  	s5 =	simm.s32 @p1 $0x1;
	p0 =	seq.s32 s7, s2  }
0x1e: {  	s7 =	smul.u32 @!p0 $0xF7A, s2;
	p2 =	seq.s32 @!p0 s5, $0x0  }
0x1f: {  	s9 =	smul.u32 $0xF7A, s1;
	s8 =	simm.s32 @!p0 $0x1BF5;
	p2 =	por !p2, p0  }
0x20: {  	[sflag:s8] =	ssyncset.s32 @!p0 $0xFFFFF086;
	s6 =	sadd.s32 @!p0 s3, s7;
	s7 =	simm.s32 @!p0 $0x108  }
0x21: {  	s3 =	sadd.s32 s3, s9;
	s6 =	sadd.s32 @!p0 $0x88, s6;
	s7 =	simm.s32 @p2 $0x1082  }
0x22: {  	[simem:s7], [sflag:s8] =	dma.local @!p0 [hbm:s6], $0xF7A  }
0x23: {  	s9 =	sor.u32 $0xD0000000, s2;
	s6 =	simm.s32 $0x108;
	_ =	swait.ge @!p0 [sflag:s8], $0x0  }
0x24: {  	s3 =	sadd.s32 $0x88, s3;
	s6 =	simm.s32 @!p1 $0x1082;
	[sflag:s4] =	ssyncset.s32 $0xFFFFF086  }
0x25: {  	[simem:s6], [sflag:s4] =	dma.local [hbm:s3], $0xF7A  }
0x26: {  	[smem:$0x3F9E] =	sst s1;
	(tag) =	ssettag s2;
	_ =	strace s9  }
0x27: {  	s1 =	sld [smem:$0x3FAE]  }
0x28: {  	s2 =	sld [smem:$0x3FAF]  }
0x29: {  	s4 =	sld [smem:$0x3FB1]  }
0x2a: {  	p0 =	seq.s32 s5, $0x0;
	s5 =	sld [smem:$0x3FB2]  }
0x2b: {  	s6 =	sld [smem:$0x3FB3]  }
0x2c: {  	s7 =	sld [smem:$0x3FB4]  }
0x2d: {  	s3 =	simm.s32 $0x108;
	s8 =	sld [smem:$0x3FB5]  }
0x2e: {  	s3 =	simm.s32 @!p0 $0x1082;
	s9 =	sld [smem:$0x3FB6]  }
0x2f: {  	lr =	sadd.s32 s0, s3;
	s0 =	sld [smem:$0x3FAD]  }
0x30: {  	s3 =	sld [smem:$0x3FB0]  }
0x31: {  	[smem:$0x3FB9] =	sst s10  }
0x32: {  	s10 =	sld [smem:$0x3FB7];
	_ =	sdelay $0x3  }
0x33: {  	p0 =	seq.s32 s10, $0x1;
	s10 =	sld [smem:$0x3FB9];
	_ =	sdelay $0x3  }
0x34: {  	[smem:$0x3FB9] =	sst s10  }
0x35: {  	s10 =	sld [smem:$0x3FB8];
	_ =	sdelay $0x3  }
0x36: {  	p1 =	seq.s32 s10, $0x1;
	s10 =	sld [smem:$0x3FB9];
	_ =	sdelay $0x3  }
0x37: {  	[smem:$0x3FB9] =	sst s10  }
0x38: {  	s10 =	sld [smem:$0x3FBA]  }
0x39: {  	_ = 	snop;
	(pc) =	sbr.ind lr, $3  }
0x3a: {  	_ = 	snop  }
0x3b: {  	_ = 	snop  }
0x3c: {  	p2 =	seq.s32 s10, $0x1;
	s10 =	sld [smem:$0x3FB9]  }
0x3d: {  	_ =	shalt  }
0x3e: {  	_ =	shalt  }
0x3f: {  	_ =	shalt  }
0x40: {  	_ =	shalt  }
0x41: {  	_ =	shalt  }
0x42: {  	_ =	shalt  }
0x43: {  	_ =	shalt  }
0x44: {  	_ =	shalt  }
0x45: {  	_ =	shalt  }
0x46: {  	_ =	shalt  }
0x47: {  	_ =	shalt  }
0x48: {  	_ =	shalt  }
0x49: {  	_ =	shalt  }
0x4a: {  	_ =	shalt  }
0x4b: {  	_ =	shalt  }
0x4c: {  	_ =	shalt  }
0x4d: {  	_ =	shalt  }
0x4e: {  	_ =	shalt  }
0x4f: {  	_ =	shalt  }
0x50: {  	_ =	shalt  }
0x51: {  	_ =	shalt  }
0x52: {  	_ =	shalt  }
0x53: {  	_ =	shalt  }
0x54: {  	_ =	shalt  }
0x55: {  	_ =	shalt  }
0x56: {  	_ =	shalt  }
0x57: {  	_ =	shalt  }
0x58: {  	_ =	shalt  }
0x59: {  	_ =	shalt  }
0x5a: {  	_ =	shalt  }
0x5b: {  	_ =	shalt  }
0x5c: {  	_ =	shalt  }
0x5d: {  	_ =	shalt  }
0x5e: {  	_ =	shalt  }
0x5f: {  	_ =	shalt  }
0x60: {  	_ =	shalt  }
0x61: {  	_ =	shalt  }
0x62: {  	_ =	shalt  }
0x63: {  	_ =	shalt  }
0x64: {  	_ =	shalt  }
0x65: {  	_ =	shalt  }
0x66: {  	_ =	shalt  }
0x67: {  	_ =	shalt  }
0x68: {  	_ =	shalt  }
0x69: {  	_ =	shalt  }
0x6a: {  	_ =	shalt  }
0x6b: {  	_ =	shalt  }
0x6c: {  	_ =	shalt  }
0x6d: {  	_ =	shalt  }
0x6e: {  	_ =	shalt  }
0x6f: {  	_ =	shalt  }
0x70: {  	_ =	shalt  }
0x71: {  	_ =	shalt  }
0x72: {  	_ =	shalt  }
0x73: {  	_ =	shalt  }
0x74: {  	_ =	shalt  }
0x75: {  	_ =	shalt  }
0x76: {  	_ =	shalt  }
0x77: {  	_ =	shalt  }
0x78: {  	_ =	shalt  }
0x79: {  	_ =	shalt  }
0x7a: {  	_ =	shalt  }
0x7b: {  	_ =	shalt  }
0x7c: {  	_ =	shalt  }
0x7d: {  	_ =	shalt  }
0x7e: {  	_ =	shalt  }
0x7f: {  	_ =	shalt  }
0x80: {  	_ =	shalt  }
0x81: {  	_ =	shalt  }
0x82: {  	_ =	shalt  }
0x83: {  	_ =	shalt  }
0x84: {  	_ =	shalt  }
0x85: {  	_ =	shalt  }
0x86: {  	_ =	shalt  }
0x87: {  	_ =	shalt  }
.Lfunc_end0:
.L_simem_size_0:
called_computation_lowered:
.L_overlay_start_0:
0x88: {  	s2 =	sld [smem:$0x3FD9]  }
0x89: {  	s3 =	sld [smem:$0x3FFE];
	_ =	sdelay $0x1  }
0x8a: {  	s1 =	srdreg.scid  }
0x8b: {  	s0 =	sand.u32 $0x1, s1  }
0x8c: {  	s17 =	sshll.u32 s0, $0xA;
	s2 =	sadd.s32 s3, s2  }
0x8d: {  	s2 =	sadd.s32 s2, s17  }
0x8e: {  	[smem:$0x3FC5] =	sst s2  }
0x8f: {  	_ = 	snop  }
0x90: {  	s2 =	sld [smem:$0x3FC9]  }
0x91: {  	s18 =	sld [smem:$0x3FD0];
	(tm) =	ssettm $0x1  }
0x92: {  	s4 =	sld [smem:$0x3FFB];
	_ =	sdelay $0x3  }
0x93: {  	_ =	strace s4  }
0x94: {  	s4 =	sld [smem:$0x3FFC];
	_ =	sdelay $0x3  }
0x95: {  	_ =	strace s4  }
0x96: {  	s4 =	sld [smem:$0x3FFD];
	_ =	sdelay $0x3  }
0x97: {  	_ =	strace s4  }
0x98: {  	_ =	strace $0x8FFFFFFF  }
0x99: {  	s19 =	sld [smem:$0x3FDB];
	_ =	sdelay $0x1  }
0x9a: {  	s5 =	simm.s32 $_scs_section_size  }
0x9b: {  	s6 =	simm.s32 $_size__tile_overlayer_lowered;
	s7 =	simm.s32 $_tile_overlayer_lowered  }
0x9c: {  	s22 =	simm.s32 $0x1BFF;
	s21 =	sshll.u32 s7, $0x1;
	s4 =	sadd.s32 s5, s19  }
0x9d: {  	s8 =	simm.s32 $0x0;
	s20 =	sshll.u32 s6, $0x1;
	s6 =	sadd.s32 s21, s4  }
0x9e: {  	[timem:s8], [sflag:s22] =	dma.local [hbm:s6], s20  }
0x9f: {  	_ =	swait.ge [sflag:s22], s20  }
0xa0: {  	s5 =	ssub.s32 $0x0, s20;
	[sflag:s22] =	ssyncset.done $0x0  }
0xa1: {  	[sflag:s22] =	ssyncadd.s32 s5;
	_ =	sdelay $0x1  }
0xa2: {  	s23 =	simm.s32 $0x1B8B  }
0xa3: {  	_ =	swait.ge [sflag:s23], $0x1  }
0xa4: {  	[sflag:s23] =	ssyncset.done $0x0  }
0xa5: {  	s25 =	simm.s32 $0x1B8E;
	s24 =	sld [smem:$0x3FFE];
	[sflag:s23] =	ssyncadd.s32 $0xFFFFFFFF  }
0xa6: {  	s26 =	simm.s32 $execute0_lowered;
	[smem:$0x3FD2] =	sst s25  }
0xa7: {  	s6 =	sshll.u32 s26, $0x1;
	_ =	strace $0x80000046;
	[dreg:$0x1] =	wrdreg $0xFFFFFFFF  }
0xa8: {  	s28 =	simm.s32 $_size_execute0_lowered;
	s4 =	sadd.s32 s4, s6;
	[dreg:$0x0] =	wrdreg $0x0  }
0xa9: {  	s6 =	sshll.u32 s28, $0x1;
	[dreg:$0x2] =	wrdreg s4  }
0xaa: {  	[dreg:$0x3] =	wrdreg s6  }
0xab: {  	[dreg:$0x4] =	wrdreg $0xC0  }
0xac: {  	_ =	task [dreg:s8], $0x5FFFF  }
0xad: {  	[dreg:$0x1] =	wrdreg $0xFFFFFFFF  }
0xae: {  	[dreg:$0x0] =	wrdreg $0x60  }
0xaf: {  	[dreg:$0x2] =	wrdreg s2  }
0xb0: {  	[dreg:$0x3] =	wrdreg s24  }
0xb1: {  	[dreg:$0x4] =	wrdreg s18  }
0xb2: {  	[dreg:$0x5] =	wrdreg $0x9  }
0xb3: {  	_ =	task.clear_ibuf [dreg:s8], $0x6FFFF;
	_ =	strace $0x90000046  }
0xb4: {  	s29 =	simm.s32 $0x9;
	_ =	strace $0x80000048  }
0xb5: {  	_ =	swait.ge [sflag:s29], $0x1  }
0xb6: {  	[sflag:s29] =	ssyncadd.s32 $0xFFFFFFFF  }
0xb7: {  	_ =	strace $0x90000048  }
0xb8: {  	_ =	sfence  }
0xb9: {  	s30 =	sld [smem:$0x0];
	_ =	sdelay $0x2  }
0xba: {  	s31 =	sshll.u32 s1, $0xD;
	s1 =	sshrl.u32 s1, $0x2  }
0xbb: {  	s3 =	sand.u32 $0x4000, s31;
	s1 =	sadd.s32 s1, s30  }
0xbc: {  	s0 =	sor.u32 s3, s0;
	s1 =	sshll.u32 s1, $0x11  }
0xbd: {  	s0 =	sor.u32 s1, s0  }
0xbe: {  	s0 =	sadd.s32 $0x8F2B, s0  }
0xbf: {  	[sflag:s0] =	ssyncadd.remote.s32 $0x1  }
0xc0: {  	_ =	sfence.sel $0xFFFF  }
0xc1: {  	[dreg:$0x0] =	wrdreg $0xFFFFFFFF;
	(pc) =	sbr.abs _section_cstart, $3  }
0xc2: {  	[dreg:$0x1] =	wrdreg $0xFFFFFFFF  }
0xc3: {  	_ =	task.clear_ibuf [dreg:s8], $0x2FFFF;
	_ =	strace $0x9FFFFFFF  }
0xc4: {  	(tm) =	ssettm $0x7FFFFFFF  }
0xc5: {  	_ =	shalt  }
tec
execute0_lowered:
.L_overlay_start_1:
0x0: {  	(tag) =	ssettag $0x1  }
0x1: {  	s2 =	srdreg.scid  }
0x2: {  	s1 =	rddreg [dreg:$0x0];
	s5 =	stileid.u32;
	s2 =	sand.u32 $0x1, s2  }
0x3: {  	s0 =	rddreg [dreg:$0x1];
	s5 =	sshll.u32 s5, $0xB;
	s6 =	sshll.u32 s2, $0xA  }
0x4: {  	s3 =	rddreg [dreg:$0x2];
	s4 =	simm.s32 $0x0;
	s5 =	sor.u32 s6, s5  }
0x5: {  	[smem:$0x7FF] =	sst s4;
	s6 =	sshrl.u32 s5, $0x3  }
0x6: {  	s8 =	sshll.u32 s5, $0x7;
	s6 =	sadd.s32 s6, s0;
	s0 =	sadd.s32 $0x400, s0  }
0x7: {  	_ =	strace $0x80000047;
	s10 =	sadd.s32 s1, s8;
	[dreg:$0x4] =	wrdreg s0  }
0x8: {  	s15 =	sor.u32 $0x800, s8;
	s19 =	sadd.s32 s3, s8;
	[dreg:$0x5] =	wrdreg s10  }
0x9: {  	s16 =	sor.u32 $0x1000, s8;
	s11 =	sadd.s32 s1, s15;
	[dreg:$0xa] =	wrdreg s19  }
0xa: {  	s9 =	sor.u32 $0x1800, s8;
	s17 =	sadd.s32 s1, s16;
	[dreg:$0x6] =	wrdreg s11  }
0xb: {  	s18 =	sadd.s32 s1, s9;
	[dreg:$0x7] =	wrdreg s17  }
0xc: {  	s2 =	ssub.s32 $0x2, s2;
	s6 =	sadd.s32 $0xC00, s6;
	[dreg:$0x8] =	wrdreg s18  }
0xd: {  	s7 =	sshrl.u32 s2, $0x1;
	s21 =	sadd.s32 $0x2000, s10;
	[dreg:$0x9] =	wrdreg s6  }
0xe: {  	s14 =	ssub.s32 s2, s7;
	s2 =	sadd.s32 s3, s15;
	[dreg:$0xb] =	wrdreg s21  }
0xf: {  	s13 =	simm.s32 $0x18400;
	s22 =	sadd.s32 $0x2800, s10;
	[dreg:$0xc] =	wrdreg s2  }
0x10: {  	s20 =	sor.u32 $0x40, s5;
	s23 =	sadd.s32 s3, s16;
	[dreg:$0xd] =	wrdreg s22  }
0x11: {  	s8 =	simm.s32 $0x4000;
	s24 =	sadd.s32 $0x3000, s10;
	[dreg:$0xe] =	wrdreg s23  }
0x12: {  	s25 =	sadd.s32 s3, s9;
	s26 =	sadd.s32 $0x3800, s10;
	[dreg:$0xf] =	wrdreg s24  }
0x13: {  	s28 =	sadd.s32 $0x1E000, s19;
	s0 =	smax.u32 s14, $0x1;
	[dreg:$0x10] =	wrdreg s25  }
0x14: {  	s29 =	sadd.s32 $0x1E800, s19;
	s30 =	sadd.s32 $0x1F000, s19;
	[dreg:$0x11] =	wrdreg s26  }
0x15: {  	s31 =	sadd.s32 $0x1F800, s19;
	s9 =	simm.s32 $0x1;
	[dreg:$0x12] =	wrdreg s28  }
0x16: {  	s10 =	simm.s32 $0x14400;
	s14 =	simm.s32 $0x3;
	[dreg:$0x13] =	wrdreg s0  }
0x17: {  	s15 =	simm.s32 $0x5;
	s16 =	simm.s32 $0x4;
	[dreg:$0x14] =	wrdreg s29  }
0x18: {  	s21 =	sor.u32 $0x50, s5;
	s22 =	sor.u32 $0x60, s5;
	[dreg:$0x15] =	wrdreg s30  }
0x19: {  	s23 =	sor.u32 $0x70, s5;
	[dreg:$0x16] =	wrdreg s31;
	s2 =	simm.s32 $0x10400  }
0x1a: {  	v0 =	vlaneseq.u32;
	s11 =	simm.s32 $0x2;
	s17 =	simm.s32 $0x6;
	s6 =	simm.s32 $0x0  }
.LBB2_1:
0x1b: {  	[dreg:$0x17] =	wrdreg s6  }
0x1c: {  	s0 =	rddreg [dreg:$0x5];
	s18 =	simm.s32 $0x4400  }
0x1d: {  	[tilespmem:s18], [sflag:$0x1] =	stream.linear.gather [hbm4b:s0+s4], $0x4000, $0x38;
	[tilespmem:$0x1C400] =	vst v63  }
0x1e: {  	s19 =	rddreg [dreg:$0x6];
	s24 =	simm.s32 $0x8400  }
0x1f: {  	[tilespmem:s24], [sflag:$0x2] =	stream.linear.gather [hbm4b:s19+s4], $0x4000, $0x38;
	[tilespmem:$0x1C400] =	vst v63  }
0x20: {  	s25 =	rddreg [dreg:$0x7];
	s26 =	simm.s32 $0xC400  }
0x21: {  	[tilespmem:s26], [sflag:$0x3] =	stream.linear.gather [hbm4b:s25+s4], $0x4000, $0x38;
	[tilespmem:$0x1C400] =	vst v63  }
0x22: {  	s28 =	rddreg [dreg:$0x8]  }
0x23: {  	[tilespmem:s2], [sflag:$0x4] =	stream.linear.gather [hbm4b:s28+s4], $0x4000, $0x38;
	[tilespmem:$0x1C400] =	vst v63  }
0x24: {  	s29 =	rddreg [dreg:$0x4];
	s30 =	simm.s32 $0x7  }
0x25: {  	[tilespmem:s4], [sflag:$0x7] =	stream.linear.gather [hbm4b:s29+s4], $0x4000, $0x38;
	[tilespmem:$0x1C400] =	vst v63  }
0x26: {  	_ =	swait.ge [sflag:s30], $0x4000  }
0x27: {  	[sflag:s30] =	ssyncset.done $0x0  }
0x28: {  	s31 =	rddreg [dreg:$0x9];
	[sflag:s30] =	ssyncadd.s32 $0xFFFFC000  }
0x29: {  	[tilespmem:s8], [sflag:$0x7] =	stream.linear.gather [hbm4b:s31+s4], $0x400, $0x38;
	[tilespmem:$0x1C400] =	vst v63  }
0x2a: {  	_ =	swait.ge [sflag:s30], $0x400  }
0x2b: {  	[sflag:s30] =	ssyncset.done $0x0  }
0x2c: {  	[sflag:s30] =	ssyncadd.s32 $0xFFFFFC00  }
0x2d: {  	_ =	swait.ge [sflag:s9], $0x4000  }
0x2e: {  	s19 =	simm.s32 $0x0;
	[sflag:s9] =	ssyncset.done $0x0  }
0x2f: {  	s24 =	simm.s32 $0x0;
	s25 =	simm.s32 $0x0;
	[sflag:s9] =	ssyncadd.s32 $0xFFFFC000  }
.LBB2_2:
0x30: {  	v1 =	vmov s25;
	_ =	sdelay $0x4  }
0x31: {  	v1 =	vld.idx.msk [tilespmem:v1+s8+$0x0], $0xffff;
	_ =	sdelay $0x4  }
0x32: {  	s6 =	simm.s32 $0x70;
	v1 =	vshll.u32 v1, $0xA  }
0x33: {  	s7 =	simm.s32 $0x60;
	s18 =	sshll.u32 s24, $0x2;
	s26 =	sand.u32 $0x7, s19;
	v1 =	vor.u32 v0, v1  }
0x34: {  	v2 =	vor.u32 s6, v1;
	v3 =	vor.u32 s7, v1;
	s6 =	sand.u32 $0xFFFF8000, s18;
	s7 =	sshll.u32 s26, $0x9  }
0x35: {  	s12 =	simm.s32 $0x0;
	s6 =	sor.u32 s7, s6  }
0x36: {  	s28 =	simm.s32 $0x20;
	v4 =	vor.u32 s12, v1;
	s6 =	sshrl.u32 s6, $0x2  }
0x37: {  	s31 =	simm.s32 $0x50;
	v7 =	vor.u32 s28, v1;
	s26 =	sadd.s32 $0x4440, s6  }
0x38: {  	s18 =	simm.s32 $0x10;
	v12 =	vor.u32 s31, v1;
	v11 =	vld [tilespmem:s26+$0x20]  }
0x39: {  	s29 =	simm.s32 $0x30;
	v6 =	vor.u32 s18, v1;
	v2 =	vld.idx.msk [tilespmem:v2+s4+$0x0], $0xffff  }
0x3a: {  	v9 =	vor.u32 s29, v1;
	v10 =	vld.idx.msk [tilespmem:v3+s4+$0x0], $0xffff  }
0x3b: {  	s30 =	simm.s32 $0x40;
	v5 =	vld.idx.msk [tilespmem:v4+s4+$0x0], $0xffff  }
0x3c: {  	v3 =	vor.u32 s30, v1;
	v7 =	vld.idx.msk [tilespmem:v7+s4+$0x0], $0xffff  }
0x3d: {  	v4 =	vld.idx.msk [tilespmem:v12+s4+$0x0], $0xffff  }
0x3e: {  	v8 =	vld.idx.msk [tilespmem:v6+s4+$0x0], $0xffff  }
0x3f: {  	v6 =	vld.idx.msk [tilespmem:v9+s4+$0x0], $0xffff  }
0x40: {  	v9 =	vld [tilespmem:s26+$0xFFFFFFC0];
	v10 =	vadd.f32 v11, v10  }
0x41: {  	s7 =	sadd.s32 $0x14440, s6;
	v3 =	vld.idx.msk [tilespmem:v3+s4+$0x0], $0xffff  }
0x42: {  	s12 =	simm.s32 $0x0;
	s6 =	simm.s32 $0xF0;
	[tilespmem:s7+$0x20] =	vst v10;
	v10 =	vld [tilespmem:s26+$0xFFFFFFD0]  }
.LBB2_3:
0x43: {  	s18 =	sadd.s32 $0xFFFFFFA0, s6;
	s28 =	sadd.s32 $0xFFFFFFF0, s6;
	v11 =	vor.u32 s6, v1;
	s12 =	sadd.s32 $0x8, s12;
	v12 =	vld [tilespmem:s26+$0xFFFFFFE0]  }
0x44: {  	s29 =	sadd.s32 $0xFFFFFFC0, s6;
	v13 =	vor.u32 s18, v1;
	s18 =	sadd.s32 $0xFFFFFFB0, s6;
	v14 =	vor.u32 s28, v1;
	p0 =	slt.u32 s12, $0x38;
	v15 =	vld [tilespmem:s26+$0xFFFFFFF0]  }
0x45: {  	s28 =	sadd.s32 $0xFFFFFF90, s6;
	v17 =	vor.u32 s29, v1;
	s29 =	sadd.s32 $0xFFFFFFE0, s6;
	v16 =	vor.u32 s18, v1;
	s18 =	sadd.s32 $0xFFFFFFD0, s6;
	v18 =	vld [tilespmem:s26+$0x0]  }
0x46: {  	v19 =	vor.u32 s28, v1;
	v21 =	vor.u32 s29, v1;
	v20 =	vor.u32 s18, v1;
	v22 =	vld [tilespmem:s26+$0x10]  }
0x47: {  	v5 =	vadd.f32 v9, v5;
	v8 =	vadd.f32 v10, v8;
	v9 =	vld [tilespmem:s26+$0x30]  }
0x48: {  	v10 =	vld.idx.msk [tilespmem:v11+s4+$0x0], $0xffff;
	v7 =	vadd.f32 v12, v7  }
0x49: {  	s26 =	sadd.s32 $0x400, s26;
	v11 =	vld.idx.msk [tilespmem:v14+s4+$0x0], $0xffff;
	[tilespmem:s7+$0xFFFFFFC0] =	vst v5;
	v6 =	vadd.f32 v15, v6  }
0x4a: {  	v12 =	vld [tilespmem:s26+$0x20];
	[tilespmem:s7+$0xFFFFFFD0] =	vst v8;
	v3 =	vadd.f32 v18, v3  }
0x4b: {  	v5 =	vld.idx.msk [tilespmem:v19+s4+$0x0], $0xffff;
	[tilespmem:s7+$0xFFFFFFE0] =	vst v7;
	v4 =	vadd.f32 v22, v4  }
0x4c: {  	v8 =	vld.idx.msk [tilespmem:v13+s4+$0x0], $0xffff;
	[tilespmem:s7+$0xFFFFFFF0] =	vst v6;
	v9 =	vadd.f32 v9, v2  }
0x4d: {  	v7 =	vld.idx.msk [tilespmem:v16+s4+$0x0], $0xffff;
	[tilespmem:s7+$0x0] =	vst v3  }
.Ltmp0:
0x4e: {  	v2 =	vmov v10;
	v6 =	vld.idx.msk [tilespmem:v17+s4+$0x0], $0xffff;
	[tilespmem:s7+$0x10] =	vst v4;
	(pc) =	sbr.rel @p0 .LBB2_3-.Ltmp0, $4  }
0x4f: {  	v3 =	vld.idx.msk [tilespmem:v20+s4+$0x0], $0xffff;
	v10 =	vadd.f32 v12, v11;
	[tilespmem:s7+$0x30] =	vst v9  }
0x50: {  	s7 =	sadd.s32 $0x400, s7;
	v4 =	vld.idx.msk [tilespmem:v21+s4+$0x0], $0xffff  }
0x51: {  	v9 =	vld [tilespmem:s26+$0xFFFFFFC0];
	[tilespmem:s7+$0x20] =	vst v10  }
0x52: {  	s6 =	sadd.s32 $0x80, s6;
	v10 =	vld [tilespmem:s26+$0xFFFFFFD0]  }
0x53: {  	v1 =	vld [tilespmem:s26+$0xFFFFFFE0]  }
0x54: {  	v11 =	vld [tilespmem:s26+$0xFFFFFFF0]  }
0x55: {  	v12 =	vld [tilespmem:s26+$0x0]  }
0x56: {  	v62 =	vld [tilespmem:s26+$0x30];
	v5 =	vadd.f32 v9, v5  }
0x57: {  	v13 =	vld [tilespmem:s26+$0x10];
	v8 =	vadd.f32 v10, v8  }
0x58: {  	s25 =	sadd.s32 $0x1, s25;
	v1 =	vadd.f32 v1, v7;
	[tilespmem:s7+$0xFFFFFFC0] =	vst v5  }
0x59: {  	p0 =	sne.s32 s25, $0x10;
	v63 =	vadd.f32 v11, v6;
	[tilespmem:s7+$0xFFFFFFD0] =	vst v8  }
.Ltmp1:
0x5a: {  	v3 =	vadd.f32 v12, v3;
	[tilespmem:s7+$0xFFFFFFE0] =	vst v1;
	(pc) =	sbr.rel @p0 .LBB2_2-.Ltmp1, $4  }
0x5b: {  	v2 =	vadd.f32 v62, v2;
	[tilespmem:s7+$0xFFFFFFF0] =	vst v63  }
0x5c: {  	v1 =	vadd.f32 v13, v4;
	[tilespmem:s7+$0x0] =	vst v3  }
0x5d: {  	[tilespmem:s7+$0x30] =	vst v2  }
0x5e: {  	s24 =	sadd.s32 $0x400, s24;
	s19 =	sadd.s32 $0x1, s19;
	[tilespmem:s7+$0x10] =	vst v1  }
0x5f: {  	s19 =	simm.s32 $0x0;
	s0 =	rddreg [dreg:$0xa]  }
0x60: {  	[hbm4b:s0+s19] =	stream.linear.scatter [tilespmem:s10], [sflag:$0x5], $0x4000, $0x38;
	[tilespmem:$0x1C400] =	vst v63  }
0x61: {  	s31 =	rddreg [dreg:$0xb];
	s6 =	simm.s32 $0x4400  }
0x62: {  	[tilespmem:s6], [sflag:$0x1] =	stream.linear.gather [hbm4b:s31+s19], $0x4000, $0x38;
	[tilespmem:$0x1C400] =	vst v63  }
0x63: {  	_ =	swait.ge [sflag:s11], $0x4000  }
0x64: {  	[sflag:s11] =	ssyncset.done $0x0  }
0x65: {  	s24 =	simm.s32 $0x0;
	s25 =	simm.s32 $0x0;
	[sflag:s11] =	ssyncadd.s32 $0xFFFFC000  }
.LBB2_6:
0x66: {  	v1 =	vmov s25  }
0x67: {  	v1 =	vadd.s32 $0x10, v1  }
0x68: {  	v1 =	vbroadcast v1, $0x0;
	_ =	sdelay $0x5  }
0x69: {  	v1 =	vld.idx.msk [tilespmem:v1+s8+$0x0], $0xffff;
	_ =	sdelay $0x4  }
0x6a: {  	s6 =	simm.s32 $0x70;
	v1 =	vshll.u32 v1, $0xA  }
0x6b: {  	s7 =	simm.s32 $0x60;
	s18 =	sshll.u32 s24, $0x2;
	s26 =	sand.u32 $0x7, s19;
	v1 =	vor.u32 v0, v1  }
0x6c: {  	v2 =	vor.u32 s6, v1;
	v3 =	vor.u32 s7, v1;
	s6 =	sand.u32 $0xFFFF8000, s18;
	s7 =	sshll.u32 s26, $0x9  }
0x6d: {  	s12 =	simm.s32 $0x0;
	s6 =	sor.u32 s7, s6  }
0x6e: {  	s28 =	simm.s32 $0x20;
	v4 =	vor.u32 s12, v1;
	s6 =	sshrl.u32 s6, $0x2  }
0x6f: {  	s31 =	simm.s32 $0x50;
	v7 =	vor.u32 s28, v1;
	s26 =	sadd.s32 $0x8440, s6  }
0x70: {  	s18 =	simm.s32 $0x10;
	v12 =	vor.u32 s31, v1;
	v11 =	vld [tilespmem:s26+$0x20]  }
0x71: {  	s29 =	simm.s32 $0x30;
	v6 =	vor.u32 s18, v1;
	v2 =	vld.idx.msk [tilespmem:v2+s4+$0x0], $0xffff  }
0x72: {  	v9 =	vor.u32 s29, v1;
	v10 =	vld.idx.msk [tilespmem:v3+s4+$0x0], $0xffff  }
0x73: {  	s30 =	simm.s32 $0x40;
	v5 =	vld.idx.msk [tilespmem:v4+s4+$0x0], $0xffff  }
0x74: {  	v3 =	vor.u32 s30, v1;
	v7 =	vld.idx.msk [tilespmem:v7+s4+$0x0], $0xffff  }
0x75: {  	v4 =	vld.idx.msk [tilespmem:v12+s4+$0x0], $0xffff  }
0x76: {  	v8 =	vld.idx.msk [tilespmem:v6+s4+$0x0], $0xffff  }
0x77: {  	v6 =	vld.idx.msk [tilespmem:v9+s4+$0x0], $0xffff  }
0x78: {  	v9 =	vld [tilespmem:s26+$0xFFFFFFC0];
	v10 =	vadd.f32 v11, v10  }
0x79: {  	s7 =	sadd.s32 $0x18440, s6;
	v3 =	vld.idx.msk [tilespmem:v3+s4+$0x0], $0xffff  }
0x7a: {  	s12 =	simm.s32 $0x0;
	s6 =	simm.s32 $0xF0;
	[tilespmem:s7+$0x20] =	vst v10;
	v10 =	vld [tilespmem:s26+$0xFFFFFFD0]  }
.LBB2_7:
0x7b: {  	s18 =	sadd.s32 $0xFFFFFFA0, s6;
	s28 =	sadd.s32 $0xFFFFFFF0, s6;
	v11 =	vor.u32 s6, v1;
	s12 =	sadd.s32 $0x8, s12;
	v12 =	vld [tilespmem:s26+$0xFFFFFFE0]  }
0x7c: {  	s29 =	sadd.s32 $0xFFFFFFC0, s6;
	v13 =	vor.u32 s18, v1;
	s18 =	sadd.s32 $0xFFFFFFB0, s6;
	v14 =	vor.u32 s28, v1;
	p0 =	slt.u32 s12, $0x38;
	v15 =	vld [tilespmem:s26+$0xFFFFFFF0]  }
0x7d: {  	s28 =	sadd.s32 $0xFFFFFF90, s6;
	v17 =	vor.u32 s29, v1;
	s29 =	sadd.s32 $0xFFFFFFE0, s6;
	v16 =	vor.u32 s18, v1;
	s18 =	sadd.s32 $0xFFFFFFD0, s6;
	v18 =	vld [tilespmem:s26+$0x0]  }
0x7e: {  	v19 =	vor.u32 s28, v1;
	v21 =	vor.u32 s29, v1;
	v20 =	vor.u32 s18, v1;
	v22 =	vld [tilespmem:s26+$0x10]  }
0x7f: {  	v5 =	vadd.f32 v9, v5;
	v8 =	vadd.f32 v10, v8;
	v9 =	vld [tilespmem:s26+$0x30]  }
0x80: {  	v10 =	vld.idx.msk [tilespmem:v11+s4+$0x0], $0xffff;
	v7 =	vadd.f32 v12, v7  }
0x81: {  	s26 =	sadd.s32 $0x400, s26;
	v11 =	vld.idx.msk [tilespmem:v14+s4+$0x0], $0xffff;
	[tilespmem:s7+$0xFFFFFFC0] =	vst v5;
	v6 =	vadd.f32 v15, v6  }
0x82: {  	v12 =	vld [tilespmem:s26+$0x20];
	[tilespmem:s7+$0xFFFFFFD0] =	vst v8;
	v3 =	vadd.f32 v18, v3  }
0x83: {  	v5 =	vld.idx.msk [tilespmem:v19+s4+$0x0], $0xffff;
	[tilespmem:s7+$0xFFFFFFE0] =	vst v7;
	v4 =	vadd.f32 v22, v4  }
0x84: {  	v8 =	vld.idx.msk [tilespmem:v13+s4+$0x0], $0xffff;
	[tilespmem:s7+$0xFFFFFFF0] =	vst v6;
	v9 =	vadd.f32 v9, v2  }
0x85: {  	v7 =	vld.idx.msk [tilespmem:v16+s4+$0x0], $0xffff;
	[tilespmem:s7+$0x0] =	vst v3  }
.Ltmp2:
0x86: {  	v2 =	vmov v10;
	v6 =	vld.idx.msk [tilespmem:v17+s4+$0x0], $0xffff;
	[tilespmem:s7+$0x10] =	vst v4;
	(pc) =	sbr.rel @p0 .LBB2_7-.Ltmp2, $4  }
0x87: {  	v3 =	vld.idx.msk [tilespmem:v20+s4+$0x0], $0xffff;
	v10 =	vadd.f32 v12, v11;
	[tilespmem:s7+$0x30] =	vst v9  }
0x88: {  	s7 =	sadd.s32 $0x400, s7;
	v4 =	vld.idx.msk [tilespmem:v21+s4+$0x0], $0xffff  }
0x89: {  	v9 =	vld [tilespmem:s26+$0xFFFFFFC0];
	[tilespmem:s7+$0x20] =	vst v10  }
0x8a: {  	s6 =	sadd.s32 $0x80, s6;
	v10 =	vld [tilespmem:s26+$0xFFFFFFD0]  }
0x8b: {  	v1 =	vld [tilespmem:s26+$0xFFFFFFE0]  }
0x8c: {  	v11 =	vld [tilespmem:s26+$0xFFFFFFF0]  }
0x8d: {  	v12 =	vld [tilespmem:s26+$0x0]  }
0x8e: {  	v62 =	vld [tilespmem:s26+$0x30];
	v5 =	vadd.f32 v9, v5  }
0x8f: {  	v13 =	vld [tilespmem:s26+$0x10];
	v8 =	vadd.f32 v10, v8  }
0x90: {  	s25 =	sadd.s32 $0x1, s25;
	v1 =	vadd.f32 v1, v7;
	[tilespmem:s7+$0xFFFFFFC0] =	vst v5  }
0x91: {  	p0 =	sne.s32 s25, $0x10;
	v63 =	vadd.f32 v11, v6;
	[tilespmem:s7+$0xFFFFFFD0] =	vst v8  }
.Ltmp3:
0x92: {  	v3 =	vadd.f32 v12, v3;
	[tilespmem:s7+$0xFFFFFFE0] =	vst v1;
	(pc) =	sbr.rel @p0 .LBB2_6-.Ltmp3, $4  }
0x93: {  	v2 =	vadd.f32 v62, v2;
	[tilespmem:s7+$0xFFFFFFF0] =	vst v63  }
0x94: {  	v1 =	vadd.f32 v13, v4;
	[tilespmem:s7+$0x0] =	vst v3  }
0x95: {  	[tilespmem:s7+$0x30] =	vst v2  }
0x96: {  	s24 =	sadd.s32 $0x400, s24;
	s19 =	sadd.s32 $0x1, s19;
	[tilespmem:s7+$0x10] =	vst v1  }
0x97: {  	s19 =	simm.s32 $0x0;
	s0 =	rddreg [dreg:$0xc]  }
0x98: {  	[hbm4b:s0+s19] =	stream.linear.scatter [tilespmem:s13], [sflag:$0x6], $0x4000, $0x38;
	[tilespmem:$0x1C400] =	vst v63  }
0x99: {  	s31 =	rddreg [dreg:$0xd];
	s6 =	simm.s32 $0x8400  }
0x9a: {  	[tilespmem:s6], [sflag:$0x2] =	stream.linear.gather [hbm4b:s31+s19], $0x4000, $0x38;
	[tilespmem:$0x1C400] =	vst v63  }
0x9b: {  	_ =	swait.ge [sflag:s14], $0x4000  }
0x9c: {  	[sflag:s14] =	ssyncset.done $0x0  }
0x9d: {  	[sflag:s14] =	ssyncadd.s32 $0xFFFFC000  }
0x9e: {  	_ =	swait.ge [sflag:s15], $0x4000  }
0x9f: {  	[sflag:s15] =	ssyncset.done $0x0  }
0xa0: {  	s24 =	simm.s32 $0x0;
	s25 =	simm.s32 $0x0;
	[sflag:s15] =	ssyncadd.s32 $0xFFFFC000  }
.LBB2_10:
0xa1: {  	v1 =	vmov s25  }
0xa2: {  	v1 =	vadd.s32 $0x20, v1  }
0xa3: {  	v1 =	vbroadcast v1, $0x0;
	_ =	sdelay $0x5  }
0xa4: {  	v1 =	vld.idx.msk [tilespmem:v1+s8+$0x0], $0xffff;
	_ =	sdelay $0x4  }
0xa5: {  	s6 =	simm.s32 $0x70;
	v1 =	vshll.u32 v1, $0xA  }
0xa6: {  	s7 =	simm.s32 $0x60;
	s18 =	sshll.u32 s24, $0x2;
	s26 =	sand.u32 $0x7, s19;
	v1 =	vor.u32 v0, v1  }
0xa7: {  	v2 =	vor.u32 s6, v1;
	v3 =	vor.u32 s7, v1;
	s6 =	sand.u32 $0xFFFF8000, s18;
	s7 =	sshll.u32 s26, $0x9  }
0xa8: {  	s12 =	simm.s32 $0x0;
	s6 =	sor.u32 s7, s6  }
0xa9: {  	s28 =	simm.s32 $0x20;
	v4 =	vor.u32 s12, v1;
	s6 =	sshrl.u32 s6, $0x2  }
0xaa: {  	s31 =	simm.s32 $0x50;
	v7 =	vor.u32 s28, v1;
	s26 =	sadd.s32 $0xC440, s6  }
0xab: {  	s18 =	simm.s32 $0x10;
	v12 =	vor.u32 s31, v1;
	v11 =	vld [tilespmem:s26+$0x20]  }
0xac: {  	s29 =	simm.s32 $0x30;
	v6 =	vor.u32 s18, v1;
	v2 =	vld.idx.msk [tilespmem:v2+s4+$0x0], $0xffff  }
0xad: {  	v9 =	vor.u32 s29, v1;
	v10 =	vld.idx.msk [tilespmem:v3+s4+$0x0], $0xffff  }
0xae: {  	s30 =	simm.s32 $0x40;
	v5 =	vld.idx.msk [tilespmem:v4+s4+$0x0], $0xffff  }
0xaf: {  	v3 =	vor.u32 s30, v1;
	v7 =	vld.idx.msk [tilespmem:v7+s4+$0x0], $0xffff  }
0xb0: {  	v4 =	vld.idx.msk [tilespmem:v12+s4+$0x0], $0xffff  }
0xb1: {  	v8 =	vld.idx.msk [tilespmem:v6+s4+$0x0], $0xffff  }
0xb2: {  	v6 =	vld.idx.msk [tilespmem:v9+s4+$0x0], $0xffff  }
0xb3: {  	v9 =	vld [tilespmem:s26+$0xFFFFFFC0];
	v10 =	vadd.f32 v11, v10  }
0xb4: {  	s7 =	sadd.s32 $0x14440, s6;
	v3 =	vld.idx.msk [tilespmem:v3+s4+$0x0], $0xffff  }
0xb5: {  	s12 =	simm.s32 $0x0;
	s6 =	simm.s32 $0xF0;
	[tilespmem:s7+$0x20] =	vst v10;
	v10 =	vld [tilespmem:s26+$0xFFFFFFD0]  }
.LBB2_11:
0xb6: {  	s18 =	sadd.s32 $0xFFFFFFA0, s6;
	s28 =	sadd.s32 $0xFFFFFFF0, s6;
	v11 =	vor.u32 s6, v1;
	s12 =	sadd.s32 $0x8, s12;
	v12 =	vld [tilespmem:s26+$0xFFFFFFE0]  }
0xb7: {  	s29 =	sadd.s32 $0xFFFFFFC0, s6;
	v13 =	vor.u32 s18, v1;
	s18 =	sadd.s32 $0xFFFFFFB0, s6;
	v14 =	vor.u32 s28, v1;
	p0 =	slt.u32 s12, $0x38;
	v15 =	vld [tilespmem:s26+$0xFFFFFFF0]  }
0xb8: {  	s28 =	sadd.s32 $0xFFFFFF90, s6;
	v17 =	vor.u32 s29, v1;
	s29 =	sadd.s32 $0xFFFFFFE0, s6;
	v16 =	vor.u32 s18, v1;
	s18 =	sadd.s32 $0xFFFFFFD0, s6;
	v18 =	vld [tilespmem:s26+$0x0]  }
0xb9: {  	v19 =	vor.u32 s28, v1;
	v21 =	vor.u32 s29, v1;
	v20 =	vor.u32 s18, v1;
	v22 =	vld [tilespmem:s26+$0x10]  }
0xba: {  	v5 =	vadd.f32 v9, v5;
	v8 =	vadd.f32 v10, v8;
	v9 =	vld [tilespmem:s26+$0x30]  }
0xbb: {  	v10 =	vld.idx.msk [tilespmem:v11+s4+$0x0], $0xffff;
	v7 =	vadd.f32 v12, v7  }
0xbc: {  	s26 =	sadd.s32 $0x400, s26;
	v11 =	vld.idx.msk [tilespmem:v14+s4+$0x0], $0xffff;
	[tilespmem:s7+$0xFFFFFFC0] =	vst v5;
	v6 =	vadd.f32 v15, v6  }
0xbd: {  	v12 =	vld [tilespmem:s26+$0x20];
	[tilespmem:s7+$0xFFFFFFD0] =	vst v8;
	v3 =	vadd.f32 v18, v3  }
0xbe: {  	v5 =	vld.idx.msk [tilespmem:v19+s4+$0x0], $0xffff;
	[tilespmem:s7+$0xFFFFFFE0] =	vst v7;
	v4 =	vadd.f32 v22, v4  }
0xbf: {  	v8 =	vld.idx.msk [tilespmem:v13+s4+$0x0], $0xffff;
	[tilespmem:s7+$0xFFFFFFF0] =	vst v6;
	v9 =	vadd.f32 v9, v2  }
0xc0: {  	v7 =	vld.idx.msk [tilespmem:v16+s4+$0x0], $0xffff;
	[tilespmem:s7+$0x0] =	vst v3  }
.Ltmp4:
0xc1: {  	v2 =	vmov v10;
	v6 =	vld.idx.msk [tilespmem:v17+s4+$0x0], $0xffff;
	[tilespmem:s7+$0x10] =	vst v4;
	(pc) =	sbr.rel @p0 .LBB2_11-.Ltmp4, $4  }
0xc2: {  	v3 =	vld.idx.msk [tilespmem:v20+s4+$0x0], $0xffff;
	v10 =	vadd.f32 v12, v11;
	[tilespmem:s7+$0x30] =	vst v9  }
0xc3: {  	s7 =	sadd.s32 $0x400, s7;
	v4 =	vld.idx.msk [tilespmem:v21+s4+$0x0], $0xffff  }
0xc4: {  	v9 =	vld [tilespmem:s26+$0xFFFFFFC0];
	[tilespmem:s7+$0x20] =	vst v10  }
0xc5: {  	s6 =	sadd.s32 $0x80, s6;
	v10 =	vld [tilespmem:s26+$0xFFFFFFD0]  }
0xc6: {  	v1 =	vld [tilespmem:s26+$0xFFFFFFE0]  }
0xc7: {  	v11 =	vld [tilespmem:s26+$0xFFFFFFF0]  }
0xc8: {  	v12 =	vld [tilespmem:s26+$0x0]  }
0xc9: {  	v62 =	vld [tilespmem:s26+$0x30];
	v5 =	vadd.f32 v9, v5  }
0xca: {  	v13 =	vld [tilespmem:s26+$0x10];
	v8 =	vadd.f32 v10, v8  }
0xcb: {  	s25 =	sadd.s32 $0x1, s25;
	v1 =	vadd.f32 v1, v7;
	[tilespmem:s7+$0xFFFFFFC0] =	vst v5  }
0xcc: {  	p0 =	sne.s32 s25, $0x10;
	v63 =	vadd.f32 v11, v6;
	[tilespmem:s7+$0xFFFFFFD0] =	vst v8  }
.Ltmp5:
0xcd: {  	v3 =	vadd.f32 v12, v3;
	[tilespmem:s7+$0xFFFFFFE0] =	vst v1;
	(pc) =	sbr.rel @p0 .LBB2_10-.Ltmp5, $4  }
0xce: {  	v2 =	vadd.f32 v62, v2;
	[tilespmem:s7+$0xFFFFFFF0] =	vst v63  }
0xcf: {  	v1 =	vadd.f32 v13, v4;
	[tilespmem:s7+$0x0] =	vst v3  }
0xd0: {  	[tilespmem:s7+$0x30] =	vst v2  }
0xd1: {  	s24 =	sadd.s32 $0x400, s24;
	s19 =	sadd.s32 $0x1, s19;
	[tilespmem:s7+$0x10] =	vst v1  }
0xd2: {  	s19 =	simm.s32 $0x0;
	s0 =	rddreg [dreg:$0xe]  }
0xd3: {  	[hbm4b:s0+s19] =	stream.linear.scatter [tilespmem:s10], [sflag:$0x5], $0x4000, $0x38;
	[tilespmem:$0x1C400] =	vst v63  }
0xd4: {  	s31 =	rddreg [dreg:$0xf];
	s6 =	simm.s32 $0xC400  }
0xd5: {  	[tilespmem:s6], [sflag:$0x3] =	stream.linear.gather [hbm4b:s31+s19], $0x4000, $0x38;
	[tilespmem:$0x1C400] =	vst v63  }
0xd6: {  	_ =	swait.ge [sflag:s16], $0x4000  }
0xd7: {  	[sflag:s16] =	ssyncset.done $0x0  }
0xd8: {  	[sflag:s16] =	ssyncadd.s32 $0xFFFFC000  }
0xd9: {  	_ =	swait.ge [sflag:s17], $0x4000  }
0xda: {  	[sflag:s17] =	ssyncset.done $0x0  }
0xdb: {  	s24 =	simm.s32 $0x0;
	s25 =	simm.s32 $0x0;
	[sflag:s17] =	ssyncadd.s32 $0xFFFFC000  }
.LBB2_14:
0xdc: {  	v1 =	vmov s25  }
0xdd: {  	v1 =	vadd.s32 $0x30, v1  }
0xde: {  	v1 =	vbroadcast v1, $0x0;
	_ =	sdelay $0x5  }
0xdf: {  	v1 =	vld.idx.msk [tilespmem:v1+s8+$0x0], $0xffff;
	_ =	sdelay $0x4  }
0xe0: {  	s6 =	simm.s32 $0x70;
	v1 =	vshll.u32 v1, $0xA  }
0xe1: {  	s7 =	simm.s32 $0x60;
	s18 =	sshll.u32 s24, $0x2;
	s26 =	sand.u32 $0x7, s19;
	v1 =	vor.u32 v0, v1  }
0xe2: {  	v2 =	vor.u32 s6, v1;
	v3 =	vor.u32 s7, v1;
	s6 =	sand.u32 $0xFFFF8000, s18;
	s7 =	sshll.u32 s26, $0x9  }
0xe3: {  	s12 =	simm.s32 $0x0;
	s6 =	sor.u32 s7, s6  }
0xe4: {  	s28 =	simm.s32 $0x20;
	v4 =	vor.u32 s12, v1;
	s6 =	sshrl.u32 s6, $0x2  }
0xe5: {  	s31 =	simm.s32 $0x50;
	v7 =	vor.u32 s28, v1;
	s26 =	sadd.s32 $0x10440, s6  }
0xe6: {  	s18 =	simm.s32 $0x10;
	v12 =	vor.u32 s31, v1;
	v11 =	vld [tilespmem:s26+$0x20]  }
0xe7: {  	s29 =	simm.s32 $0x30;
	v6 =	vor.u32 s18, v1;
	v2 =	vld.idx.msk [tilespmem:v2+s4+$0x0], $0xffff  }
0xe8: {  	v9 =	vor.u32 s29, v1;
	v10 =	vld.idx.msk [tilespmem:v3+s4+$0x0], $0xffff  }
0xe9: {  	s30 =	simm.s32 $0x40;
	v5 =	vld.idx.msk [tilespmem:v4+s4+$0x0], $0xffff  }
0xea: {  	v3 =	vor.u32 s30, v1;
	v7 =	vld.idx.msk [tilespmem:v7+s4+$0x0], $0xffff  }
0xeb: {  	v4 =	vld.idx.msk [tilespmem:v12+s4+$0x0], $0xffff  }
0xec: {  	v8 =	vld.idx.msk [tilespmem:v6+s4+$0x0], $0xffff  }
0xed: {  	v6 =	vld.idx.msk [tilespmem:v9+s4+$0x0], $0xffff  }
0xee: {  	v9 =	vld [tilespmem:s26+$0xFFFFFFC0];
	v10 =	vadd.f32 v11, v10  }
0xef: {  	s7 =	sadd.s32 $0x18440, s6;
	v3 =	vld.idx.msk [tilespmem:v3+s4+$0x0], $0xffff  }
0xf0: {  	s12 =	simm.s32 $0x0;
	s6 =	simm.s32 $0xF0;
	[tilespmem:s7+$0x20] =	vst v10;
	v10 =	vld [tilespmem:s26+$0xFFFFFFD0]  }
.LBB2_15:
0xf1: {  	s18 =	sadd.s32 $0xFFFFFFA0, s6;
	s28 =	sadd.s32 $0xFFFFFFF0, s6;
	v11 =	vor.u32 s6, v1;
	s12 =	sadd.s32 $0x8, s12;
	v12 =	vld [tilespmem:s26+$0xFFFFFFE0]  }
0xf2: {  	s29 =	sadd.s32 $0xFFFFFFC0, s6;
	v13 =	vor.u32 s18, v1;
	s18 =	sadd.s32 $0xFFFFFFB0, s6;
	v14 =	vor.u32 s28, v1;
	p0 =	slt.u32 s12, $0x38;
	v15 =	vld [tilespmem:s26+$0xFFFFFFF0]  }
0xf3: {  	s28 =	sadd.s32 $0xFFFFFF90, s6;
	v17 =	vor.u32 s29, v1;
	s29 =	sadd.s32 $0xFFFFFFE0, s6;
	v16 =	vor.u32 s18, v1;
	s18 =	sadd.s32 $0xFFFFFFD0, s6;
	v18 =	vld [tilespmem:s26+$0x0]  }
0xf4: {  	v19 =	vor.u32 s28, v1;
	v21 =	vor.u32 s29, v1;
	v20 =	vor.u32 s18, v1;
	v22 =	vld [tilespmem:s26+$0x10]  }
0xf5: {  	v5 =	vadd.f32 v9, v5;
	v8 =	vadd.f32 v10, v8;
	v9 =	vld [tilespmem:s26+$0x30]  }
0xf6: {  	v10 =	vld.idx.msk [tilespmem:v11+s4+$0x0], $0xffff;
	v7 =	vadd.f32 v12, v7  }
0xf7: {  	s26 =	sadd.s32 $0x400, s26;
	v11 =	vld.idx.msk [tilespmem:v14+s4+$0x0], $0xffff;
	[tilespmem:s7+$0xFFFFFFC0] =	vst v5;
	v6 =	vadd.f32 v15, v6  }
0xf8: {  	v12 =	vld [tilespmem:s26+$0x20];
	[tilespmem:s7+$0xFFFFFFD0] =	vst v8;
	v3 =	vadd.f32 v18, v3  }
0xf9: {  	v5 =	vld.idx.msk [tilespmem:v19+s4+$0x0], $0xffff;
	[tilespmem:s7+$0xFFFFFFE0] =	vst v7;
	v4 =	vadd.f32 v22, v4  }
0xfa: {  	v8 =	vld.idx.msk [tilespmem:v13+s4+$0x0], $0xffff;
	[tilespmem:s7+$0xFFFFFFF0] =	vst v6;
	v9 =	vadd.f32 v9, v2  }
0xfb: {  	v7 =	vld.idx.msk [tilespmem:v16+s4+$0x0], $0xffff;
	[tilespmem:s7+$0x0] =	vst v3  }
.Ltmp6:
0xfc: {  	v2 =	vmov v10;
	v6 =	vld.idx.msk [tilespmem:v17+s4+$0x0], $0xffff;
	[tilespmem:s7+$0x10] =	vst v4;
	(pc) =	sbr.rel @p0 .LBB2_15-.Ltmp6, $4  }
0xfd: {  	v3 =	vld.idx.msk [tilespmem:v20+s4+$0x0], $0xffff;
	v10 =	vadd.f32 v12, v11;
	[tilespmem:s7+$0x30] =	vst v9  }
0xfe: {  	s7 =	sadd.s32 $0x400, s7;
	v4 =	vld.idx.msk [tilespmem:v21+s4+$0x0], $0xffff  }
0xff: {  	v9 =	vld [tilespmem:s26+$0xFFFFFFC0];
	[tilespmem:s7+$0x20] =	vst v10  }
0x100: {  	s6 =	sadd.s32 $0x80, s6;
	v10 =	vld [tilespmem:s26+$0xFFFFFFD0]  }
0x101: {  	v1 =	vld [tilespmem:s26+$0xFFFFFFE0]  }
0x102: {  	v11 =	vld [tilespmem:s26+$0xFFFFFFF0]  }
0x103: {  	v12 =	vld [tilespmem:s26+$0x0]  }
0x104: {  	v62 =	vld [tilespmem:s26+$0x30];
	v5 =	vadd.f32 v9, v5  }
0x105: {  	v13 =	vld [tilespmem:s26+$0x10];
	v8 =	vadd.f32 v10, v8  }
0x106: {  	s25 =	sadd.s32 $0x1, s25;
	v1 =	vadd.f32 v1, v7;
	[tilespmem:s7+$0xFFFFFFC0] =	vst v5  }
0x107: {  	p0 =	sne.s32 s25, $0x10;
	v63 =	vadd.f32 v11, v6;
	[tilespmem:s7+$0xFFFFFFD0] =	vst v8  }
.Ltmp7:
0x108: {  	v3 =	vadd.f32 v12, v3;
	[tilespmem:s7+$0xFFFFFFE0] =	vst v1;
	(pc) =	sbr.rel @p0 .LBB2_14-.Ltmp7, $4  }
0x109: {  	v2 =	vadd.f32 v62, v2;
	[tilespmem:s7+$0xFFFFFFF0] =	vst v63  }
0x10a: {  	v1 =	vadd.f32 v13, v4;
	[tilespmem:s7+$0x0] =	vst v3  }
0x10b: {  	[tilespmem:s7+$0x30] =	vst v2  }
0x10c: {  	s24 =	sadd.s32 $0x400, s24;
	s19 =	sadd.s32 $0x1, s19;
	[tilespmem:s7+$0x10] =	vst v1  }
0x10d: {  	s0 =	rddreg [dreg:$0x10]  }
0x10e: {  	[hbm4b:s0+s4] =	stream.linear.scatter [tilespmem:s13], [sflag:$0x6], $0x4000, $0x38;
	[tilespmem:$0x1C400] =	vst v63  }
0x10f: {  	s31 =	rddreg [dreg:$0x11];
	s19 =	simm.s32 $0x1  }
0x110: {  	[tilespmem:s2], [sflag:$0x4] =	stream.linear.gather [hbm4b:s31+s4], $0x4000, $0x38;
	[tilespmem:$0x1C400] =	vst v63  }
.LBB2_18:
0x111: {  	_ =	swait.ge [sflag:s9], $0x4000  }
0x112: {  	[sflag:s9] =	ssyncset.done $0x0  }
0x113: {  	[sflag:s9] =	ssyncadd.s32 $0xFFFFC000  }
0x114: {  	_ =	swait.ge [sflag:s15], $0x4000  }
0x115: {  	s24 =	sshll.u32 s19, $0x6;
	s25 =	simm.s32 $0x0;
	[sflag:s15] =	ssyncset.done $0x0  }
0x116: {  	s26 =	simm.s32 $0x0;
	s28 =	simm.s32 $0x0;
	[sflag:s15] =	ssyncadd.s32 $0xFFFFC000  }
.LBB2_19:
0x117: {  	s6 =	sadd.s32 s24, s28  }
0x118: {  	v1 =	vmov s6;
	_ =	sdelay $0x4  }
0x119: {  	v1 =	vld.idx.msk [tilespmem:v1+s8+$0x0], $0xffff;
	_ =	sdelay $0x4  }
0x11a: {  	s30 =	simm.s32 $0x70;
	v1 =	vshll.u32 v1, $0xA  }
0x11b: {  	s7 =	simm.s32 $0x60;
	s31 =	sshll.u32 s26, $0x2;
	s0 =	sand.u32 $0x7, s25;
	v1 =	vor.u32 v0, v1  }
0x11c: {  	s6 =	sand.u32 $0xFFFF8000, s31;
	v2 =	vor.u32 s30, v1;
	v3 =	vor.u32 s7, v1;
	s7 =	sshll.u32 s0, $0x9  }
0x11d: {  	s12 =	simm.s32 $0x0;
	s6 =	sor.u32 s7, s6  }
0x11e: {  	s18 =	simm.s32 $0x10;
	v4 =	vor.u32 s12, v1;
	s6 =	sshrl.u32 s6, $0x2  }
0x11f: {  	s31 =	simm.s32 $0x50;
	v6 =	vor.u32 s18, v1;
	s29 =	sadd.s32 $0x4440, s6  }
0x120: {  	s12 =	simm.s32 $0x20;
	v12 =	vor.u32 s31, v1;
	v11 =	vld [tilespmem:s29+$0x20]  }
0x121: {  	s18 =	simm.s32 $0x30;
	v7 =	vor.u32 s12, v1;
	v2 =	vld.idx.msk [tilespmem:v2+s4+$0x0], $0xffff  }
0x122: {  	v9 =	vor.u32 s18, v1;
	v10 =	vld.idx.msk [tilespmem:v3+s4+$0x0], $0xffff  }
0x123: {  	s30 =	simm.s32 $0x40;
	v5 =	vld.idx.msk [tilespmem:v4+s4+$0x0], $0xffff  }
0x124: {  	v3 =	vor.u32 s30, v1;
	v8 =	vld.idx.msk [tilespmem:v6+s4+$0x0], $0xffff  }
0x125: {  	v4 =	vld.idx.msk [tilespmem:v12+s4+$0x0], $0xffff  }
0x126: {  	v7 =	vld.idx.msk [tilespmem:v7+s4+$0x0], $0xffff  }
0x127: {  	v6 =	vld.idx.msk [tilespmem:v9+s4+$0x0], $0xffff  }
0x128: {  	v9 =	vld [tilespmem:s29+$0xFFFFFFC0];
	v10 =	vadd.f32 v11, v10  }
0x129: {  	s7 =	sadd.s32 $0x14440, s6;
	v3 =	vld.idx.msk [tilespmem:v3+s4+$0x0], $0xffff  }
0x12a: {  	s12 =	simm.s32 $0x0;
	s6 =	simm.s32 $0xF0;
	[tilespmem:s7+$0x20] =	vst v10;
	v10 =	vld [tilespmem:s29+$0xFFFFFFD0]  }
.LBB2_20:
0x12b: {  	s18 =	sadd.s32 $0xFFFFFFA0, s6;
	s30 =	sadd.s32 $0xFFFFFFF0, s6;
	v11 =	vor.u32 s6, v1;
	s12 =	sadd.s32 $0x8, s12;
	v12 =	vld [tilespmem:s29+$0xFFFFFFE0]  }
0x12c: {  	s31 =	sadd.s32 $0xFFFFFFC0, s6;
	v13 =	vor.u32 s18, v1;
	s18 =	sadd.s32 $0xFFFFFFB0, s6;
	v14 =	vor.u32 s30, v1;
	p0 =	slt.u32 s12, $0x38;
	v15 =	vld [tilespmem:s29+$0xFFFFFFF0]  }
0x12d: {  	s30 =	sadd.s32 $0xFFFFFF90, s6;
	v17 =	vor.u32 s31, v1;
	s31 =	sadd.s32 $0xFFFFFFE0, s6;
	v16 =	vor.u32 s18, v1;
	s18 =	sadd.s32 $0xFFFFFFD0, s6;
	v18 =	vld [tilespmem:s29+$0x0]  }
0x12e: {  	v19 =	vor.u32 s30, v1;
	v21 =	vor.u32 s31, v1;
	v20 =	vor.u32 s18, v1;
	v22 =	vld [tilespmem:s29+$0x10]  }
0x12f: {  	v5 =	vadd.f32 v9, v5;
	v8 =	vadd.f32 v10, v8;
	v9 =	vld [tilespmem:s29+$0x30]  }
0x130: {  	v10 =	vld.idx.msk [tilespmem:v11+s4+$0x0], $0xffff;
	v7 =	vadd.f32 v12, v7  }
0x131: {  	s29 =	sadd.s32 $0x400, s29;
	v11 =	vld.idx.msk [tilespmem:v14+s4+$0x0], $0xffff;
	[tilespmem:s7+$0xFFFFFFC0] =	vst v5;
	v6 =	vadd.f32 v15, v6  }
0x132: {  	v12 =	vld [tilespmem:s29+$0x20];
	[tilespmem:s7+$0xFFFFFFD0] =	vst v8;
	v3 =	vadd.f32 v18, v3  }
0x133: {  	v5 =	vld.idx.msk [tilespmem:v19+s4+$0x0], $0xffff;
	[tilespmem:s7+$0xFFFFFFE0] =	vst v7;
	v4 =	vadd.f32 v22, v4  }
0x134: {  	v8 =	vld.idx.msk [tilespmem:v13+s4+$0x0], $0xffff;
	[tilespmem:s7+$0xFFFFFFF0] =	vst v6;
	v9 =	vadd.f32 v9, v2  }
0x135: {  	v7 =	vld.idx.msk [tilespmem:v16+s4+$0x0], $0xffff;
	[tilespmem:s7+$0x0] =	vst v3  }
.Ltmp8:
0x136: {  	v2 =	vmov v10;
	v6 =	vld.idx.msk [tilespmem:v17+s4+$0x0], $0xffff;
	[tilespmem:s7+$0x10] =	vst v4;
	(pc) =	sbr.rel @p0 .LBB2_20-.Ltmp8, $4  }
0x137: {  	v3 =	vld.idx.msk [tilespmem:v20+s4+$0x0], $0xffff;
	v10 =	vadd.f32 v12, v11;
	[tilespmem:s7+$0x30] =	vst v9  }
0x138: {  	s7 =	sadd.s32 $0x400, s7;
	v4 =	vld.idx.msk [tilespmem:v21+s4+$0x0], $0xffff  }
0x139: {  	v9 =	vld [tilespmem:s29+$0xFFFFFFC0];
	[tilespmem:s7+$0x20] =	vst v10  }
0x13a: {  	s6 =	sadd.s32 $0x80, s6;
	v10 =	vld [tilespmem:s29+$0xFFFFFFD0]  }
0x13b: {  	v1 =	vld [tilespmem:s29+$0xFFFFFFE0]  }
0x13c: {  	v11 =	vld [tilespmem:s29+$0xFFFFFFF0]  }
0x13d: {  	v12 =	vld [tilespmem:s29+$0x0]  }
0x13e: {  	v62 =	vld [tilespmem:s29+$0x30];
	v5 =	vadd.f32 v9, v5  }
0x13f: {  	v13 =	vld [tilespmem:s29+$0x10];
	v8 =	vadd.f32 v10, v8  }
0x140: {  	s28 =	sadd.s32 $0x1, s28;
	v1 =	vadd.f32 v1, v7;
	[tilespmem:s7+$0xFFFFFFC0] =	vst v5  }
0x141: {  	p0 =	sne.s32 s28, $0x10;
	v63 =	vadd.f32 v11, v6;
	[tilespmem:s7+$0xFFFFFFD0] =	vst v8  }
.Ltmp9:
0x142: {  	v3 =	vadd.f32 v12, v3;
	[tilespmem:s7+$0xFFFFFFE0] =	vst v1;
	(pc) =	sbr.rel @p0 .LBB2_19-.Ltmp9, $4  }
0x143: {  	v2 =	vadd.f32 v62, v2;
	[tilespmem:s7+$0xFFFFFFF0] =	vst v63  }
0x144: {  	v1 =	vadd.f32 v13, v4;
	[tilespmem:s7+$0x0] =	vst v3  }
0x145: {  	[tilespmem:s7+$0x30] =	vst v2  }
0x146: {  	s26 =	sadd.s32 $0x400, s26;
	s25 =	sadd.s32 $0x1, s25;
	[tilespmem:s7+$0x10] =	vst v1  }
0x147: {  	s6 =	sadd.s32 s5, s24  }
0x148: {  	s6 =	sshll.u32 s6, $0x7  }
0x149: {  	s25 =	simm.s32 $0x0;
	s31 =	sadd.s32 s24, s20;
	s6 =	sadd.s32 s3, s6  }
0x14a: {  	[hbm4b:s6+s25] =	stream.linear.scatter [tilespmem:s10], [sflag:$0x5], $0x4000, $0x38;
	[tilespmem:$0x1C400] =	vst v63  }
0x14b: {  	s6 =	sshll.u32 s31, $0x7  }
0x14c: {  	s0 =	simm.s32 $0x4400;
	s6 =	sadd.s32 s1, s6  }
0x14d: {  	[tilespmem:s0], [sflag:$0x1] =	stream.linear.gather [hbm4b:s6+s25], $0x4000, $0x38;
	[tilespmem:$0x1C400] =	vst v63  }
0x14e: {  	_ =	swait.ge [sflag:s11], $0x4000  }
0x14f: {  	[sflag:s11] =	ssyncset.done $0x0  }
0x150: {  	[sflag:s11] =	ssyncadd.s32 $0xFFFFC000  }
0x151: {  	_ =	swait.ge [sflag:s17], $0x4000  }
0x152: {  	s26 =	sor.u32 $0x10, s24;
	[sflag:s17] =	ssyncset.done $0x0  }
0x153: {  	s28 =	simm.s32 $0x0;
	s29 =	simm.s32 $0x0;
	[sflag:s17] =	ssyncadd.s32 $0xFFFFC000  }
.LBB2_23:
0x154: {  	s6 =	sadd.s32 s26, s29  }
0x155: {  	v1 =	vmov s6;
	_ =	sdelay $0x4  }
0x156: {  	v1 =	vld.idx.msk [tilespmem:v1+s8+$0x0], $0xffff;
	_ =	sdelay $0x4  }
0x157: {  	s30 =	simm.s32 $0x70;
	v1 =	vshll.u32 v1, $0xA  }
0x158: {  	s7 =	simm.s32 $0x60;
	s31 =	sshll.u32 s28, $0x2;
	s0 =	sand.u32 $0x7, s25;
	v1 =	vor.u32 v0, v1  }
0x159: {  	s6 =	sand.u32 $0xFFFF8000, s31;
	v2 =	vor.u32 s30, v1;
	v3 =	vor.u32 s7, v1;
	s7 =	sshll.u32 s0, $0x9  }
0x15a: {  	s12 =	simm.s32 $0x0;
	s6 =	sor.u32 s7, s6  }
0x15b: {  	s18 =	simm.s32 $0x10;
	v4 =	vor.u32 s12, v1;
	s6 =	sshrl.u32 s6, $0x2  }
0x15c: {  	s31 =	simm.s32 $0x50;
	v6 =	vor.u32 s18, v1;
	s7 =	sadd.s32 $0x8440, s6  }
0x15d: {  	s12 =	simm.s32 $0x20;
	v12 =	vor.u32 s31, v1;
	v11 =	vld [tilespmem:s7+$0x20]  }
0x15e: {  	s18 =	simm.s32 $0x30;
	v7 =	vor.u32 s12, v1;
	v2 =	vld.idx.msk [tilespmem:v2+s4+$0x0], $0xffff  }
0x15f: {  	v9 =	vor.u32 s18, v1;
	v10 =	vld.idx.msk [tilespmem:v3+s4+$0x0], $0xffff  }
0x160: {  	s30 =	simm.s32 $0x40;
	v5 =	vld.idx.msk [tilespmem:v4+s4+$0x0], $0xffff  }
0x161: {  	v3 =	vor.u32 s30, v1;
	v8 =	vld.idx.msk [tilespmem:v6+s4+$0x0], $0xffff  }
0x162: {  	v4 =	vld.idx.msk [tilespmem:v12+s4+$0x0], $0xffff  }
0x163: {  	v7 =	vld.idx.msk [tilespmem:v7+s4+$0x0], $0xffff  }
0x164: {  	v6 =	vld.idx.msk [tilespmem:v9+s4+$0x0], $0xffff  }
0x165: {  	v9 =	vld [tilespmem:s7+$0xFFFFFFC0];
	v10 =	vadd.f32 v11, v10  }
0x166: {  	s12 =	sadd.s32 $0x18440, s6;
	v3 =	vld.idx.msk [tilespmem:v3+s4+$0x0], $0xffff  }
0x167: {  	s18 =	simm.s32 $0xF0;
	s6 =	simm.s32 $0x0;
	[tilespmem:s12+$0x20] =	vst v10;
	v10 =	vld [tilespmem:s7+$0xFFFFFFD0]  }
.LBB2_24:
0x168: {  	s30 =	sadd.s32 $0xFFFFFFA0, s18;
	s31 =	sadd.s32 $0xFFFFFFF0, s18;
	v11 =	vor.u32 s18, v1;
	s6 =	sadd.s32 $0x8, s6;
	v12 =	vld [tilespmem:s7+$0xFFFFFFE0]  }
0x169: {  	s0 =	sadd.s32 $0xFFFFFFC0, s18;
	v13 =	vor.u32 s30, v1;
	s30 =	sadd.s32 $0xFFFFFFB0, s18;
	v14 =	vor.u32 s31, v1;
	p0 =	slt.u32 s6, $0x38;
	v15 =	vld [tilespmem:s7+$0xFFFFFFF0]  }
0x16a: {  	s31 =	sadd.s32 $0xFFFFFF90, s18;
	v17 =	vor.u32 s0, v1;
	s0 =	sadd.s32 $0xFFFFFFD0, s18;
	v16 =	vor.u32 s30, v1;
	s30 =	sadd.s32 $0xFFFFFFE0, s18;
	v18 =	vld [tilespmem:s7+$0x0]  }
0x16b: {  	v19 =	vor.u32 s31, v1;
	v20 =	vor.u32 s0, v1;
	v21 =	vor.u32 s30, v1;
	v22 =	vld [tilespmem:s7+$0x10]  }
0x16c: {  	v5 =	vadd.f32 v9, v5;
	v8 =	vadd.f32 v10, v8;
	v9 =	vld [tilespmem:s7+$0x30]  }
0x16d: {  	v10 =	vld.idx.msk [tilespmem:v11+s4+$0x0], $0xffff;
	v7 =	vadd.f32 v12, v7  }
0x16e: {  	s7 =	sadd.s32 $0x400, s7;
	v11 =	vld.idx.msk [tilespmem:v14+s4+$0x0], $0xffff;
	[tilespmem:s12+$0xFFFFFFC0] =	vst v5;
	v6 =	vadd.f32 v15, v6  }
0x16f: {  	v12 =	vld [tilespmem:s7+$0x20];
	[tilespmem:s12+$0xFFFFFFD0] =	vst v8;
	v3 =	vadd.f32 v18, v3  }
0x170: {  	v5 =	vld.idx.msk [tilespmem:v19+s4+$0x0], $0xffff;
	[tilespmem:s12+$0xFFFFFFE0] =	vst v7;
	v4 =	vadd.f32 v22, v4  }
0x171: {  	v8 =	vld.idx.msk [tilespmem:v13+s4+$0x0], $0xffff;
	[tilespmem:s12+$0xFFFFFFF0] =	vst v6;
	v9 =	vadd.f32 v9, v2  }
0x172: {  	v7 =	vld.idx.msk [tilespmem:v16+s4+$0x0], $0xffff;
	[tilespmem:s12+$0x0] =	vst v3  }
.Ltmp10:
0x173: {  	v2 =	vmov v10;
	v6 =	vld.idx.msk [tilespmem:v17+s4+$0x0], $0xffff;
	[tilespmem:s12+$0x10] =	vst v4;
	(pc) =	sbr.rel @p0 .LBB2_24-.Ltmp10, $4  }
0x174: {  	v3 =	vld.idx.msk [tilespmem:v20+s4+$0x0], $0xffff;
	v10 =	vadd.f32 v12, v11;
	[tilespmem:s12+$0x30] =	vst v9  }
0x175: {  	s12 =	sadd.s32 $0x400, s12;
	v4 =	vld.idx.msk [tilespmem:v21+s4+$0x0], $0xffff  }
0x176: {  	v9 =	vld [tilespmem:s7+$0xFFFFFFC0];
	[tilespmem:s12+$0x20] =	vst v10  }
0x177: {  	s18 =	sadd.s32 $0x80, s18;
	v10 =	vld [tilespmem:s7+$0xFFFFFFD0]  }
0x178: {  	v1 =	vld [tilespmem:s7+$0xFFFFFFE0]  }
0x179: {  	v11 =	vld [tilespmem:s7+$0xFFFFFFF0]  }
0x17a: {  	v12 =	vld [tilespmem:s7+$0x0]  }
0x17b: {  	v62 =	vld [tilespmem:s7+$0x30];
	v5 =	vadd.f32 v9, v5  }
0x17c: {  	v13 =	vld [tilespmem:s7+$0x10];
	v8 =	vadd.f32 v10, v8  }
0x17d: {  	s29 =	sadd.s32 $0x1, s29;
	v1 =	vadd.f32 v1, v7;
	[tilespmem:s12+$0xFFFFFFC0] =	vst v5  }
0x17e: {  	p0 =	sne.s32 s29, $0x10;
	v63 =	vadd.f32 v11, v6;
	[tilespmem:s12+$0xFFFFFFD0] =	vst v8  }
.Ltmp11:
0x17f: {  	v3 =	vadd.f32 v12, v3;
	[tilespmem:s12+$0xFFFFFFE0] =	vst v1;
	(pc) =	sbr.rel @p0 .LBB2_23-.Ltmp11, $4  }
0x180: {  	v2 =	vadd.f32 v62, v2;
	[tilespmem:s12+$0xFFFFFFF0] =	vst v63  }
0x181: {  	v1 =	vadd.f32 v13, v4;
	[tilespmem:s12+$0x0] =	vst v3  }
0x182: {  	[tilespmem:s12+$0x30] =	vst v2  }
0x183: {  	s28 =	sadd.s32 $0x400, s28;
	s25 =	sadd.s32 $0x1, s25;
	[tilespmem:s12+$0x10] =	vst v1  }
0x184: {  	s0 =	sadd.s32 s5, s26  }
0x185: {  	s0 =	sshll.u32 s0, $0x7  }
0x186: {  	s25 =	simm.s32 $0x0;
	s31 =	sadd.s32 s24, s21;
	s0 =	sadd.s32 s3, s0  }
0x187: {  	[hbm4b:s0+s25] =	stream.linear.scatter [tilespmem:s13], [sflag:$0x6], $0x4000, $0x38;
	[tilespmem:$0x1C400] =	vst v63  }
0x188: {  	s0 =	sshll.u32 s31, $0x7  }
0x189: {  	s6 =	simm.s32 $0x8400;
	s0 =	sadd.s32 s1, s0  }
0x18a: {  	[tilespmem:s6], [sflag:$0x2] =	stream.linear.gather [hbm4b:s0+s25], $0x4000, $0x38;
	[tilespmem:$0x1C400] =	vst v63  }
0x18b: {  	_ =	swait.ge [sflag:s14], $0x4000  }
0x18c: {  	[sflag:s14] =	ssyncset.done $0x0  }
0x18d: {  	[sflag:s14] =	ssyncadd.s32 $0xFFFFC000  }
0x18e: {  	_ =	swait.ge [sflag:s15], $0x4000  }
0x18f: {  	s26 =	sor.u32 $0x20, s24;
	[sflag:s15] =	ssyncset.done $0x0  }
0x190: {  	s28 =	simm.s32 $0x0;
	s29 =	simm.s32 $0x0;
	[sflag:s15] =	ssyncadd.s32 $0xFFFFC000  }
.LBB2_27:
0x191: {  	s0 =	sadd.s32 s26, s29  }
0x192: {  	v1 =	vmov s0;
	_ =	sdelay $0x4  }
0x193: {  	v1 =	vld.idx.msk [tilespmem:v1+s8+$0x0], $0xffff;
	_ =	sdelay $0x4  }
0x194: {  	s18 =	simm.s32 $0x70;
	v1 =	vshll.u32 v1, $0xA  }
0x195: {  	s6 =	simm.s32 $0x60;
	s30 =	sshll.u32 s28, $0x2;
	s31 =	sand.u32 $0x7, s25;
	v1 =	vor.u32 v0, v1  }
0x196: {  	s0 =	sand.u32 $0xFFFF8000, s30;
	v2 =	vor.u32 s18, v1;
	v3 =	vor.u32 s6, v1;
	s6 =	sshll.u32 s31, $0x9  }
0x197: {  	s7 =	simm.s32 $0x0;
	s0 =	sor.u32 s6, s0  }
0x198: {  	s12 =	simm.s32 $0x10;
	v4 =	vor.u32 s7, v1;
	s0 =	sshrl.u32 s0, $0x2  }
0x199: {  	v6 =	vor.u32 s12, v1;
	s12 =	simm.s32 $0x20;
	s7 =	sadd.s32 $0xC440, s0  }
0x19a: {  	s18 =	simm.s32 $0x30;
	v7 =	vor.u32 s12, v1;
	v11 =	vld [tilespmem:s7+$0x20]  }
0x19b: {  	s31 =	simm.s32 $0x50;
	v9 =	vor.u32 s18, v1;
	v2 =	vld.idx.msk [tilespmem:v2+s4+$0x0], $0xffff  }
0x19c: {  	v12 =	vor.u32 s31, v1;
	v10 =	vld.idx.msk [tilespmem:v3+s4+$0x0], $0xffff  }
0x19d: {  	s30 =	simm.s32 $0x40;
	v5 =	vld.idx.msk [tilespmem:v4+s4+$0x0], $0xffff  }
0x19e: {  	v3 =	vor.u32 s30, v1;
	v8 =	vld.idx.msk [tilespmem:v6+s4+$0x0], $0xffff  }
0x19f: {  	v7 =	vld.idx.msk [tilespmem:v7+s4+$0x0], $0xffff  }
0x1a0: {  	v6 =	vld.idx.msk [tilespmem:v9+s4+$0x0], $0xffff  }
0x1a1: {  	v4 =	vld.idx.msk [tilespmem:v12+s4+$0x0], $0xffff  }
0x1a2: {  	v9 =	vld [tilespmem:s7+$0xFFFFFFC0];
	v10 =	vadd.f32 v11, v10  }
0x1a3: {  	s12 =	sadd.s32 $0x14440, s0;
	v3 =	vld.idx.msk [tilespmem:v3+s4+$0x0], $0xffff  }
0x1a4: {  	s6 =	simm.s32 $0x0;
	s18 =	simm.s32 $0xF0;
	[tilespmem:s12+$0x20] =	vst v10;
	v10 =	vld [tilespmem:s7+$0xFFFFFFD0]  }
.LBB2_28:
0x1a5: {  	s0 =	sadd.s32 $0xFFFFFFA0, s18;
	s30 =	sadd.s32 $0xFFFFFFF0, s18;
	v11 =	vor.u32 s18, v1;
	s6 =	sadd.s32 $0x8, s6;
	v12 =	vld [tilespmem:s7+$0xFFFFFFE0]  }
0x1a6: {  	s31 =	sadd.s32 $0xFFFFFFC0, s18;
	v13 =	vor.u32 s0, v1;
	s0 =	sadd.s32 $0xFFFFFFB0, s18;
	v14 =	vor.u32 s30, v1;
	p0 =	slt.u32 s6, $0x38;
	v15 =	vld [tilespmem:s7+$0xFFFFFFF0]  }
0x1a7: {  	s30 =	sadd.s32 $0xFFFFFF90, s18;
	v17 =	vor.u32 s31, v1;
	s31 =	sadd.s32 $0xFFFFFFE0, s18;
	v16 =	vor.u32 s0, v1;
	s0 =	sadd.s32 $0xFFFFFFD0, s18;
	v18 =	vld [tilespmem:s7+$0x0]  }
0x1a8: {  	v19 =	vor.u32 s30, v1;
	v21 =	vor.u32 s31, v1;
	v20 =	vor.u32 s0, v1;
	v22 =	vld [tilespmem:s7+$0x10]  }
0x1a9: {  	v5 =	vadd.f32 v9, v5;
	v8 =	vadd.f32 v10, v8;
	v9 =	vld [tilespmem:s7+$0x30]  }
0x1aa: {  	v10 =	vld.idx.msk [tilespmem:v11+s4+$0x0], $0xffff;
	v7 =	vadd.f32 v12, v7  }
0x1ab: {  	s7 =	sadd.s32 $0x400, s7;
	v11 =	vld.idx.msk [tilespmem:v14+s4+$0x0], $0xffff;
	[tilespmem:s12+$0xFFFFFFC0] =	vst v5;
	v6 =	vadd.f32 v15, v6  }
0x1ac: {  	v12 =	vld [tilespmem:s7+$0x20];
	[tilespmem:s12+$0xFFFFFFD0] =	vst v8;
	v3 =	vadd.f32 v18, v3  }
0x1ad: {  	v5 =	vld.idx.msk [tilespmem:v19+s4+$0x0], $0xffff;
	[tilespmem:s12+$0xFFFFFFE0] =	vst v7;
	v4 =	vadd.f32 v22, v4  }
0x1ae: {  	v8 =	vld.idx.msk [tilespmem:v13+s4+$0x0], $0xffff;
	[tilespmem:s12+$0xFFFFFFF0] =	vst v6;
	v9 =	vadd.f32 v9, v2  }
0x1af: {  	v7 =	vld.idx.msk [tilespmem:v16+s4+$0x0], $0xffff;
	[tilespmem:s12+$0x0] =	vst v3  }
.Ltmp12:
0x1b0: {  	v2 =	vmov v10;
	v6 =	vld.idx.msk [tilespmem:v17+s4+$0x0], $0xffff;
	[tilespmem:s12+$0x10] =	vst v4;
	(pc) =	sbr.rel @p0 .LBB2_28-.Ltmp12, $4  }
0x1b1: {  	v3 =	vld.idx.msk [tilespmem:v20+s4+$0x0], $0xffff;
	v10 =	vadd.f32 v12, v11;
	[tilespmem:s12+$0x30] =	vst v9  }
0x1b2: {  	s12 =	sadd.s32 $0x400, s12;
	v4 =	vld.idx.msk [tilespmem:v21+s4+$0x0], $0xffff  }
0x1b3: {  	v9 =	vld [tilespmem:s7+$0xFFFFFFC0];
	[tilespmem:s12+$0x20] =	vst v10  }
0x1b4: {  	s18 =	sadd.s32 $0x80, s18;
	v10 =	vld [tilespmem:s7+$0xFFFFFFD0]  }
0x1b5: {  	v1 =	vld [tilespmem:s7+$0xFFFFFFE0]  }
0x1b6: {  	v11 =	vld [tilespmem:s7+$0xFFFFFFF0]  }
0x1b7: {  	v12 =	vld [tilespmem:s7+$0x0]  }
0x1b8: {  	v62 =	vld [tilespmem:s7+$0x30];
	v5 =	vadd.f32 v9, v5  }
0x1b9: {  	v13 =	vld [tilespmem:s7+$0x10];
	v8 =	vadd.f32 v10, v8  }
0x1ba: {  	s29 =	sadd.s32 $0x1, s29;
	v1 =	vadd.f32 v1, v7;
	[tilespmem:s12+$0xFFFFFFC0] =	vst v5  }
0x1bb: {  	p0 =	sne.s32 s29, $0x10;
	v63 =	vadd.f32 v11, v6;
	[tilespmem:s12+$0xFFFFFFD0] =	vst v8  }
.Ltmp13:
0x1bc: {  	v3 =	vadd.f32 v12, v3;
	[tilespmem:s12+$0xFFFFFFE0] =	vst v1;
	(pc) =	sbr.rel @p0 .LBB2_27-.Ltmp13, $4  }
0x1bd: {  	v2 =	vadd.f32 v62, v2;
	[tilespmem:s12+$0xFFFFFFF0] =	vst v63  }
0x1be: {  	v1 =	vadd.f32 v13, v4;
	[tilespmem:s12+$0x0] =	vst v3  }
0x1bf: {  	[tilespmem:s12+$0x30] =	vst v2  }
0x1c0: {  	s28 =	sadd.s32 $0x400, s28;
	s25 =	sadd.s32 $0x1, s25;
	[tilespmem:s12+$0x10] =	vst v1  }
0x1c1: {  	s0 =	sadd.s32 s5, s26  }
0x1c2: {  	s0 =	sshll.u32 s0, $0x7  }
0x1c3: {  	s25 =	simm.s32 $0x0;
	s31 =	sadd.s32 s24, s22;
	s0 =	sadd.s32 s3, s0  }
0x1c4: {  	[hbm4b:s0+s25] =	stream.linear.scatter [tilespmem:s10], [sflag:$0x5], $0x4000, $0x38;
	[tilespmem:$0x1C400] =	vst v63  }
0x1c5: {  	s0 =	sshll.u32 s31, $0x7  }
0x1c6: {  	s6 =	simm.s32 $0xC400;
	s0 =	sadd.s32 s1, s0  }
0x1c7: {  	[tilespmem:s6], [sflag:$0x3] =	stream.linear.gather [hbm4b:s0+s25], $0x4000, $0x38;
	[tilespmem:$0x1C400] =	vst v63  }
0x1c8: {  	_ =	swait.ge [sflag:s16], $0x4000  }
0x1c9: {  	[sflag:s16] =	ssyncset.done $0x0  }
0x1ca: {  	[sflag:s16] =	ssyncadd.s32 $0xFFFFC000  }
0x1cb: {  	_ =	swait.ge [sflag:s17], $0x4000  }
0x1cc: {  	s26 =	sor.u32 $0x30, s24;
	[sflag:s17] =	ssyncset.done $0x0  }
0x1cd: {  	s28 =	simm.s32 $0x0;
	s29 =	simm.s32 $0x0;
	[sflag:s17] =	ssyncadd.s32 $0xFFFFC000  }
.LBB2_31:
0x1ce: {  	s0 =	sadd.s32 s26, s29  }
0x1cf: {  	v1 =	vmov s0;
	_ =	sdelay $0x4  }
0x1d0: {  	v1 =	vld.idx.msk [tilespmem:v1+s8+$0x0], $0xffff;
	_ =	sdelay $0x4  }
0x1d1: {  	s18 =	simm.s32 $0x70;
	v1 =	vshll.u32 v1, $0xA  }
0x1d2: {  	s6 =	simm.s32 $0x60;
	s30 =	sshll.u32 s28, $0x2;
	s31 =	sand.u32 $0x7, s25;
	v1 =	vor.u32 v0, v1  }
0x1d3: {  	s0 =	sand.u32 $0xFFFF8000, s30;
	v2 =	vor.u32 s18, v1;
	v3 =	vor.u32 s6, v1;
	s6 =	sshll.u32 s31, $0x9  }
0x1d4: {  	s7 =	simm.s32 $0x0;
	s0 =	sor.u32 s6, s0  }
0x1d5: {  	s12 =	simm.s32 $0x10;
	v4 =	vor.u32 s7, v1;
	s0 =	sshrl.u32 s0, $0x2  }
0x1d6: {  	v6 =	vor.u32 s12, v1;
	s12 =	simm.s32 $0x20;
	s7 =	sadd.s32 $0x10440, s0  }
0x1d7: {  	s18 =	simm.s32 $0x30;
	v7 =	vor.u32 s12, v1;
	v11 =	vld [tilespmem:s7+$0x20]  }
0x1d8: {  	s31 =	simm.s32 $0x50;
	v9 =	vor.u32 s18, v1;
	v2 =	vld.idx.msk [tilespmem:v2+s4+$0x0], $0xffff  }
0x1d9: {  	v12 =	vor.u32 s31, v1;
	v10 =	vld.idx.msk [tilespmem:v3+s4+$0x0], $0xffff  }
0x1da: {  	s30 =	simm.s32 $0x40;
	v5 =	vld.idx.msk [tilespmem:v4+s4+$0x0], $0xffff  }
0x1db: {  	v3 =	vor.u32 s30, v1;
	v8 =	vld.idx.msk [tilespmem:v6+s4+$0x0], $0xffff  }
0x1dc: {  	v7 =	vld.idx.msk [tilespmem:v7+s4+$0x0], $0xffff  }
0x1dd: {  	v6 =	vld.idx.msk [tilespmem:v9+s4+$0x0], $0xffff  }
0x1de: {  	v4 =	vld.idx.msk [tilespmem:v12+s4+$0x0], $0xffff  }
0x1df: {  	v9 =	vld [tilespmem:s7+$0xFFFFFFC0];
	v10 =	vadd.f32 v11, v10  }
0x1e0: {  	s12 =	sadd.s32 $0x18440, s0;
	v3 =	vld.idx.msk [tilespmem:v3+s4+$0x0], $0xffff  }
0x1e1: {  	s6 =	simm.s32 $0x0;
	s18 =	simm.s32 $0xF0;
	[tilespmem:s12+$0x20] =	vst v10;
	v10 =	vld [tilespmem:s7+$0xFFFFFFD0]  }
.LBB2_32:
0x1e2: {  	s0 =	sadd.s32 $0xFFFFFFA0, s18;
	s30 =	sadd.s32 $0xFFFFFFF0, s18;
	v11 =	vor.u32 s18, v1;
	s6 =	sadd.s32 $0x8, s6;
	v12 =	vld [tilespmem:s7+$0xFFFFFFE0]  }
0x1e3: {  	s31 =	sadd.s32 $0xFFFFFFC0, s18;
	v13 =	vor.u32 s0, v1;
	s0 =	sadd.s32 $0xFFFFFFB0, s18;
	v14 =	vor.u32 s30, v1;
	p0 =	slt.u32 s6, $0x38;
	v15 =	vld [tilespmem:s7+$0xFFFFFFF0]  }
0x1e4: {  	s30 =	sadd.s32 $0xFFFFFF90, s18;
	v17 =	vor.u32 s31, v1;
	s31 =	sadd.s32 $0xFFFFFFE0, s18;
	v16 =	vor.u32 s0, v1;
	s0 =	sadd.s32 $0xFFFFFFD0, s18;
	v18 =	vld [tilespmem:s7+$0x0]  }
0x1e5: {  	v19 =	vor.u32 s30, v1;
	v21 =	vor.u32 s31, v1;
	v20 =	vor.u32 s0, v1;
	v22 =	vld [tilespmem:s7+$0x10]  }
0x1e6: {  	v5 =	vadd.f32 v9, v5;
	v8 =	vadd.f32 v10, v8;
	v9 =	vld [tilespmem:s7+$0x30]  }
0x1e7: {  	v10 =	vld.idx.msk [tilespmem:v11+s4+$0x0], $0xffff;
	v7 =	vadd.f32 v12, v7  }
0x1e8: {  	s7 =	sadd.s32 $0x400, s7;
	v11 =	vld.idx.msk [tilespmem:v14+s4+$0x0], $0xffff;
	[tilespmem:s12+$0xFFFFFFC0] =	vst v5;
	v6 =	vadd.f32 v15, v6  }
0x1e9: {  	v12 =	vld [tilespmem:s7+$0x20];
	[tilespmem:s12+$0xFFFFFFD0] =	vst v8;
	v3 =	vadd.f32 v18, v3  }
0x1ea: {  	v5 =	vld.idx.msk [tilespmem:v19+s4+$0x0], $0xffff;
	[tilespmem:s12+$0xFFFFFFE0] =	vst v7;
	v4 =	vadd.f32 v22, v4  }
0x1eb: {  	v8 =	vld.idx.msk [tilespmem:v13+s4+$0x0], $0xffff;
	[tilespmem:s12+$0xFFFFFFF0] =	vst v6;
	v9 =	vadd.f32 v9, v2  }
0x1ec: {  	v7 =	vld.idx.msk [tilespmem:v16+s4+$0x0], $0xffff;
	[tilespmem:s12+$0x0] =	vst v3  }
.Ltmp14:
0x1ed: {  	v2 =	vmov v10;
	v6 =	vld.idx.msk [tilespmem:v17+s4+$0x0], $0xffff;
	[tilespmem:s12+$0x10] =	vst v4;
	(pc) =	sbr.rel @p0 .LBB2_32-.Ltmp14, $4  }
0x1ee: {  	v3 =	vld.idx.msk [tilespmem:v20+s4+$0x0], $0xffff;
	v10 =	vadd.f32 v12, v11;
	[tilespmem:s12+$0x30] =	vst v9  }
0x1ef: {  	s12 =	sadd.s32 $0x400, s12;
	v4 =	vld.idx.msk [tilespmem:v21+s4+$0x0], $0xffff  }
0x1f0: {  	v9 =	vld [tilespmem:s7+$0xFFFFFFC0];
	[tilespmem:s12+$0x20] =	vst v10  }
0x1f1: {  	s18 =	sadd.s32 $0x80, s18;
	v10 =	vld [tilespmem:s7+$0xFFFFFFD0]  }
0x1f2: {  	v1 =	vld [tilespmem:s7+$0xFFFFFFE0]  }
0x1f3: {  	v11 =	vld [tilespmem:s7+$0xFFFFFFF0]  }
0x1f4: {  	v12 =	vld [tilespmem:s7+$0x0]  }
0x1f5: {  	v62 =	vld [tilespmem:s7+$0x30];
	v5 =	vadd.f32 v9, v5  }
0x1f6: {  	v13 =	vld [tilespmem:s7+$0x10];
	v8 =	vadd.f32 v10, v8  }
0x1f7: {  	s29 =	sadd.s32 $0x1, s29;
	v1 =	vadd.f32 v1, v7;
	[tilespmem:s12+$0xFFFFFFC0] =	vst v5  }
0x1f8: {  	p0 =	sne.s32 s29, $0x10;
	v63 =	vadd.f32 v11, v6;
	[tilespmem:s12+$0xFFFFFFD0] =	vst v8  }
.Ltmp15:
0x1f9: {  	v3 =	vadd.f32 v12, v3;
	[tilespmem:s12+$0xFFFFFFE0] =	vst v1;
	(pc) =	sbr.rel @p0 .LBB2_31-.Ltmp15, $4  }
0x1fa: {  	v2 =	vadd.f32 v62, v2;
	[tilespmem:s12+$0xFFFFFFF0] =	vst v63  }
0x1fb: {  	v1 =	vadd.f32 v13, v4;
	[tilespmem:s12+$0x0] =	vst v3  }
0x1fc: {  	[tilespmem:s12+$0x30] =	vst v2  }
0x1fd: {  	s28 =	sadd.s32 $0x400, s28;
	s25 =	sadd.s32 $0x1, s25;
	[tilespmem:s12+$0x10] =	vst v1  }
0x1fe: {  	s0 =	sadd.s32 s5, s26;
	s19 =	sadd.s32 $0x1, s19  }
0x1ff: {  	s0 =	sshll.u32 s0, $0x7;
	p0 =	sne.s32 s19, $0xF  }
.Ltmp16:
0x200: {  	s31 =	sadd.s32 s24, s23;
	s0 =	sadd.s32 s3, s0;
	(pc) =	sbr.rel @p0 .LBB2_18-.Ltmp16, $4  }
0x201: {  	[hbm4b:s0+s4] =	stream.linear.scatter [tilespmem:s13], [sflag:$0x6], $0x4000, $0x38;
	[tilespmem:$0x1C400] =	vst v63  }
0x202: {  	s0 =	sshll.u32 s31, $0x7  }
0x203: {  	s0 =	sadd.s32 s1, s0  }
0x204: {  	[tilespmem:s2], [sflag:$0x4] =	stream.linear.gather [hbm4b:s0+s4], $0x4000, $0x38;
	[tilespmem:$0x1C400] =	vst v63  }
0x205: {  	_ =	swait.ge [sflag:s9], $0x4000  }
0x206: {  	[sflag:s9] =	ssyncset.done $0x0  }
0x207: {  	[sflag:s9] =	ssyncadd.s32 $0xFFFFC000  }
0x208: {  	_ =	swait.ge [sflag:s15], $0x4000  }
0x209: {  	s19 =	simm.s32 $0x0;
	[sflag:s15] =	ssyncset.done $0x0  }
0x20a: {  	s24 =	simm.s32 $0x0;
	s25 =	simm.s32 $0x0;
	[sflag:s15] =	ssyncadd.s32 $0xFFFFC000  }
.LBB2_36:
0x20b: {  	v1 =	vmov s25  }
0x20c: {  	v1 =	vadd.s32 $0x3C0, v1  }
0x20d: {  	v1 =	vbroadcast v1, $0x0;
	_ =	sdelay $0x5  }
0x20e: {  	v1 =	vld.idx.msk [tilespmem:v1+s8+$0x0], $0xffff;
	_ =	sdelay $0x4  }
0x20f: {  	s0 =	simm.s32 $0x70;
	v1 =	vshll.u32 v1, $0xA  }
0x210: {  	s6 =	simm.s32 $0x60;
	s18 =	sshll.u32 s24, $0x2;
	s26 =	sand.u32 $0x7, s19;
	v1 =	vor.u32 v0, v1  }
0x211: {  	v2 =	vor.u32 s0, v1;
	v3 =	vor.u32 s6, v1;
	s0 =	sand.u32 $0xFFFF8000, s18;
	s6 =	sshll.u32 s26, $0x9  }
0x212: {  	s7 =	simm.s32 $0x0;
	s0 =	sor.u32 s6, s0  }
0x213: {  	s12 =	simm.s32 $0x10;
	v4 =	vor.u32 s7, v1;
	s0 =	sshrl.u32 s0, $0x2  }
0x214: {  	s28 =	simm.s32 $0x20;
	v6 =	vor.u32 s12, v1;
	s7 =	sadd.s32 $0x4440, s0  }
0x215: {  	s29 =	simm.s32 $0x30;
	v7 =	vor.u32 s28, v1;
	v11 =	vld [tilespmem:s7+$0x20]  }
0x216: {  	s31 =	simm.s32 $0x50;
	v9 =	vor.u32 s29, v1;
	v2 =	vld.idx.msk [tilespmem:v2+s4+$0x0], $0xffff  }
0x217: {  	v12 =	vor.u32 s31, v1;
	v10 =	vld.idx.msk [tilespmem:v3+s4+$0x0], $0xffff  }
0x218: {  	s30 =	simm.s32 $0x40;
	v5 =	vld.idx.msk [tilespmem:v4+s4+$0x0], $0xffff  }
0x219: {  	v3 =	vor.u32 s30, v1;
	v8 =	vld.idx.msk [tilespmem:v6+s4+$0x0], $0xffff  }
0x21a: {  	v7 =	vld.idx.msk [tilespmem:v7+s4+$0x0], $0xffff  }
0x21b: {  	v6 =	vld.idx.msk [tilespmem:v9+s4+$0x0], $0xffff  }
0x21c: {  	v4 =	vld.idx.msk [tilespmem:v12+s4+$0x0], $0xffff  }
0x21d: {  	v9 =	vld [tilespmem:s7+$0xFFFFFFC0];
	v10 =	vadd.f32 v11, v10  }
0x21e: {  	s12 =	sadd.s32 $0x14440, s0;
	v3 =	vld.idx.msk [tilespmem:v3+s4+$0x0], $0xffff  }
0x21f: {  	s18 =	simm.s32 $0xF0;
	s6 =	simm.s32 $0x0;
	[tilespmem:s12+$0x20] =	vst v10;
	v10 =	vld [tilespmem:s7+$0xFFFFFFD0]  }
.LBB2_37:
0x220: {  	s0 =	sadd.s32 $0xFFFFFFA0, s18;
	s26 =	sadd.s32 $0xFFFFFFF0, s18;
	v11 =	vor.u32 s18, v1;
	s6 =	sadd.s32 $0x8, s6;
	v12 =	vld [tilespmem:s7+$0xFFFFFFE0]  }
0x221: {  	s28 =	sadd.s32 $0xFFFFFFC0, s18;
	v13 =	vor.u32 s0, v1;
	s0 =	sadd.s32 $0xFFFFFFB0, s18;
	v14 =	vor.u32 s26, v1;
	p0 =	slt.u32 s6, $0x38;
	v15 =	vld [tilespmem:s7+$0xFFFFFFF0]  }
0x222: {  	s26 =	sadd.s32 $0xFFFFFF90, s18;
	v17 =	vor.u32 s28, v1;
	s28 =	sadd.s32 $0xFFFFFFE0, s18;
	v16 =	vor.u32 s0, v1;
	s0 =	sadd.s32 $0xFFFFFFD0, s18;
	v18 =	vld [tilespmem:s7+$0x0]  }
0x223: {  	v19 =	vor.u32 s26, v1;
	v21 =	vor.u32 s28, v1;
	v20 =	vor.u32 s0, v1;
	v22 =	vld [tilespmem:s7+$0x10]  }
0x224: {  	v5 =	vadd.f32 v9, v5;
	v8 =	vadd.f32 v10, v8;
	v9 =	vld [tilespmem:s7+$0x30]  }
0x225: {  	v10 =	vld.idx.msk [tilespmem:v11+s4+$0x0], $0xffff;
	v7 =	vadd.f32 v12, v7  }
0x226: {  	s7 =	sadd.s32 $0x400, s7;
	v11 =	vld.idx.msk [tilespmem:v14+s4+$0x0], $0xffff;
	[tilespmem:s12+$0xFFFFFFC0] =	vst v5;
	v6 =	vadd.f32 v15, v6  }
0x227: {  	v12 =	vld [tilespmem:s7+$0x20];
	[tilespmem:s12+$0xFFFFFFD0] =	vst v8;
	v3 =	vadd.f32 v18, v3  }
0x228: {  	v5 =	vld.idx.msk [tilespmem:v19+s4+$0x0], $0xffff;
	[tilespmem:s12+$0xFFFFFFE0] =	vst v7;
	v4 =	vadd.f32 v22, v4  }
0x229: {  	v8 =	vld.idx.msk [tilespmem:v13+s4+$0x0], $0xffff;
	[tilespmem:s12+$0xFFFFFFF0] =	vst v6;
	v9 =	vadd.f32 v9, v2  }
0x22a: {  	v7 =	vld.idx.msk [tilespmem:v16+s4+$0x0], $0xffff;
	[tilespmem:s12+$0x0] =	vst v3  }
.Ltmp17:
0x22b: {  	v2 =	vmov v10;
	v6 =	vld.idx.msk [tilespmem:v17+s4+$0x0], $0xffff;
	[tilespmem:s12+$0x10] =	vst v4;
	(pc) =	sbr.rel @p0 .LBB2_37-.Ltmp17, $4  }
0x22c: {  	v3 =	vld.idx.msk [tilespmem:v20+s4+$0x0], $0xffff;
	v10 =	vadd.f32 v12, v11;
	[tilespmem:s12+$0x30] =	vst v9  }
0x22d: {  	s12 =	sadd.s32 $0x400, s12;
	v4 =	vld.idx.msk [tilespmem:v21+s4+$0x0], $0xffff  }
0x22e: {  	v9 =	vld [tilespmem:s7+$0xFFFFFFC0];
	[tilespmem:s12+$0x20] =	vst v10  }
0x22f: {  	s18 =	sadd.s32 $0x80, s18;
	v10 =	vld [tilespmem:s7+$0xFFFFFFD0]  }
0x230: {  	v1 =	vld [tilespmem:s7+$0xFFFFFFE0]  }
0x231: {  	v11 =	vld [tilespmem:s7+$0xFFFFFFF0]  }
0x232: {  	v12 =	vld [tilespmem:s7+$0x0]  }
0x233: {  	v62 =	vld [tilespmem:s7+$0x30];
	v5 =	vadd.f32 v9, v5  }
0x234: {  	v13 =	vld [tilespmem:s7+$0x10];
	v8 =	vadd.f32 v10, v8  }
0x235: {  	s25 =	sadd.s32 $0x1, s25;
	v1 =	vadd.f32 v1, v7;
	[tilespmem:s12+$0xFFFFFFC0] =	vst v5  }
0x236: {  	p0 =	sne.s32 s25, $0x10;
	v63 =	vadd.f32 v11, v6;
	[tilespmem:s12+$0xFFFFFFD0] =	vst v8  }
.Ltmp18:
0x237: {  	v3 =	vadd.f32 v12, v3;
	[tilespmem:s12+$0xFFFFFFE0] =	vst v1;
	(pc) =	sbr.rel @p0 .LBB2_36-.Ltmp18, $4  }
0x238: {  	v2 =	vadd.f32 v62, v2;
	[tilespmem:s12+$0xFFFFFFF0] =	vst v63  }
0x239: {  	v1 =	vadd.f32 v13, v4;
	[tilespmem:s12+$0x0] =	vst v3  }
0x23a: {  	[tilespmem:s12+$0x30] =	vst v2  }
0x23b: {  	s24 =	sadd.s32 $0x400, s24;
	s19 =	sadd.s32 $0x1, s19;
	[tilespmem:s12+$0x10] =	vst v1  }
0x23c: {  	s19 =	simm.s32 $0x0;
	s0 =	rddreg [dreg:$0x12]  }
0x23d: {  	[hbm4b:s0+s19] =	stream.linear.scatter [tilespmem:s10], [sflag:$0x5], $0x4000, $0x38;
	[tilespmem:$0x1C400] =	vst v63  }
0x23e: {  	_ =	swait.ge [sflag:s11], $0x4000  }
0x23f: {  	[sflag:s11] =	ssyncset.done $0x0  }
0x240: {  	[sflag:s11] =	ssyncadd.s32 $0xFFFFC000  }
0x241: {  	_ =	swait.ge [sflag:s17], $0x4000  }
0x242: {  	[sflag:s17] =	ssyncset.done $0x0  }
0x243: {  	s24 =	simm.s32 $0x0;
	s25 =	simm.s32 $0x0;
	[sflag:s17] =	ssyncadd.s32 $0xFFFFC000  }
.LBB2_40:
0x244: {  	v1 =	vmov s25  }
0x245: {  	v1 =	vadd.s32 $0x3D0, v1  }
0x246: {  	v1 =	vbroadcast v1, $0x0;
	_ =	sdelay $0x5  }
0x247: {  	v1 =	vld.idx.msk [tilespmem:v1+s8+$0x0], $0xffff;
	_ =	sdelay $0x4  }
0x248: {  	s0 =	simm.s32 $0x70;
	v1 =	vshll.u32 v1, $0xA  }
0x249: {  	s6 =	simm.s32 $0x60;
	s18 =	sshll.u32 s24, $0x2;
	s26 =	sand.u32 $0x7, s19;
	v1 =	vor.u32 v0, v1  }
0x24a: {  	v2 =	vor.u32 s0, v1;
	v3 =	vor.u32 s6, v1;
	s0 =	sand.u32 $0xFFFF8000, s18;
	s6 =	sshll.u32 s26, $0x9  }
0x24b: {  	s7 =	simm.s32 $0x0;
	s0 =	sor.u32 s6, s0  }
0x24c: {  	s12 =	simm.s32 $0x10;
	v4 =	vor.u32 s7, v1;
	s0 =	sshrl.u32 s0, $0x2  }
0x24d: {  	s28 =	simm.s32 $0x20;
	v6 =	vor.u32 s12, v1;
	s7 =	sadd.s32 $0x8440, s0  }
0x24e: {  	s29 =	simm.s32 $0x30;
	v7 =	vor.u32 s28, v1;
	v11 =	vld [tilespmem:s7+$0x20]  }
0x24f: {  	s31 =	simm.s32 $0x50;
	v9 =	vor.u32 s29, v1;
	v2 =	vld.idx.msk [tilespmem:v2+s4+$0x0], $0xffff  }
0x250: {  	v12 =	vor.u32 s31, v1;
	v10 =	vld.idx.msk [tilespmem:v3+s4+$0x0], $0xffff  }
0x251: {  	s30 =	simm.s32 $0x40;
	v5 =	vld.idx.msk [tilespmem:v4+s4+$0x0], $0xffff  }
0x252: {  	v3 =	vor.u32 s30, v1;
	v8 =	vld.idx.msk [tilespmem:v6+s4+$0x0], $0xffff  }
0x253: {  	v7 =	vld.idx.msk [tilespmem:v7+s4+$0x0], $0xffff  }
0x254: {  	v6 =	vld.idx.msk [tilespmem:v9+s4+$0x0], $0xffff  }
0x255: {  	v4 =	vld.idx.msk [tilespmem:v12+s4+$0x0], $0xffff  }
0x256: {  	v9 =	vld [tilespmem:s7+$0xFFFFFFC0];
	v10 =	vadd.f32 v11, v10  }
0x257: {  	s12 =	sadd.s32 $0x18440, s0;
	v3 =	vld.idx.msk [tilespmem:v3+s4+$0x0], $0xffff  }
0x258: {  	s18 =	simm.s32 $0xF0;
	s6 =	simm.s32 $0x0;
	[tilespmem:s12+$0x20] =	vst v10;
	v10 =	vld [tilespmem:s7+$0xFFFFFFD0]  }
.LBB2_41:
0x259: {  	s0 =	sadd.s32 $0xFFFFFFA0, s18;
	s26 =	sadd.s32 $0xFFFFFFF0, s18;
	v11 =	vor.u32 s18, v1;
	s6 =	sadd.s32 $0x8, s6;
	v12 =	vld [tilespmem:s7+$0xFFFFFFE0]  }
0x25a: {  	s28 =	sadd.s32 $0xFFFFFFC0, s18;
	v13 =	vor.u32 s0, v1;
	s0 =	sadd.s32 $0xFFFFFFB0, s18;
	v14 =	vor.u32 s26, v1;
	p0 =	slt.u32 s6, $0x38;
	v15 =	vld [tilespmem:s7+$0xFFFFFFF0]  }
0x25b: {  	s26 =	sadd.s32 $0xFFFFFF90, s18;
	v17 =	vor.u32 s28, v1;
	s28 =	sadd.s32 $0xFFFFFFE0, s18;
	v16 =	vor.u32 s0, v1;
	s0 =	sadd.s32 $0xFFFFFFD0, s18;
	v18 =	vld [tilespmem:s7+$0x0]  }
0x25c: {  	v19 =	vor.u32 s26, v1;
	v21 =	vor.u32 s28, v1;
	v20 =	vor.u32 s0, v1;
	v22 =	vld [tilespmem:s7+$0x10]  }
0x25d: {  	v5 =	vadd.f32 v9, v5;
	v8 =	vadd.f32 v10, v8;
	v9 =	vld [tilespmem:s7+$0x30]  }
0x25e: {  	v10 =	vld.idx.msk [tilespmem:v11+s4+$0x0], $0xffff;
	v7 =	vadd.f32 v12, v7  }
0x25f: {  	s7 =	sadd.s32 $0x400, s7;
	v11 =	vld.idx.msk [tilespmem:v14+s4+$0x0], $0xffff;
	[tilespmem:s12+$0xFFFFFFC0] =	vst v5;
	v6 =	vadd.f32 v15, v6  }
0x260: {  	v12 =	vld [tilespmem:s7+$0x20];
	[tilespmem:s12+$0xFFFFFFD0] =	vst v8;
	v3 =	vadd.f32 v18, v3  }
0x261: {  	v5 =	vld.idx.msk [tilespmem:v19+s4+$0x0], $0xffff;
	[tilespmem:s12+$0xFFFFFFE0] =	vst v7;
	v4 =	vadd.f32 v22, v4  }
0x262: {  	v8 =	vld.idx.msk [tilespmem:v13+s4+$0x0], $0xffff;
	[tilespmem:s12+$0xFFFFFFF0] =	vst v6;
	v9 =	vadd.f32 v9, v2  }
0x263: {  	v7 =	vld.idx.msk [tilespmem:v16+s4+$0x0], $0xffff;
	[tilespmem:s12+$0x0] =	vst v3  }
.Ltmp19:
0x264: {  	v2 =	vmov v10;
	v6 =	vld.idx.msk [tilespmem:v17+s4+$0x0], $0xffff;
	[tilespmem:s12+$0x10] =	vst v4;
	(pc) =	sbr.rel @p0 .LBB2_41-.Ltmp19, $4  }
0x265: {  	v3 =	vld.idx.msk [tilespmem:v20+s4+$0x0], $0xffff;
	v10 =	vadd.f32 v12, v11;
	[tilespmem:s12+$0x30] =	vst v9  }
0x266: {  	s12 =	sadd.s32 $0x400, s12;
	v4 =	vld.idx.msk [tilespmem:v21+s4+$0x0], $0xffff  }
0x267: {  	v9 =	vld [tilespmem:s7+$0xFFFFFFC0];
	[tilespmem:s12+$0x20] =	vst v10  }
0x268: {  	s18 =	sadd.s32 $0x80, s18;
	v10 =	vld [tilespmem:s7+$0xFFFFFFD0]  }
0x269: {  	v1 =	vld [tilespmem:s7+$0xFFFFFFE0]  }
0x26a: {  	v11 =	vld [tilespmem:s7+$0xFFFFFFF0]  }
0x26b: {  	v12 =	vld [tilespmem:s7+$0x0]  }
0x26c: {  	v62 =	vld [tilespmem:s7+$0x30];
	v5 =	vadd.f32 v9, v5  }
0x26d: {  	v13 =	vld [tilespmem:s7+$0x10];
	v8 =	vadd.f32 v10, v8  }
0x26e: {  	s25 =	sadd.s32 $0x1, s25;
	v1 =	vadd.f32 v1, v7;
	[tilespmem:s12+$0xFFFFFFC0] =	vst v5  }
0x26f: {  	p0 =	sne.s32 s25, $0x10;
	v63 =	vadd.f32 v11, v6;
	[tilespmem:s12+$0xFFFFFFD0] =	vst v8  }
.Ltmp20:
0x270: {  	v3 =	vadd.f32 v12, v3;
	[tilespmem:s12+$0xFFFFFFE0] =	vst v1;
	(pc) =	sbr.rel @p0 .LBB2_40-.Ltmp20, $4  }
0x271: {  	v2 =	vadd.f32 v62, v2;
	[tilespmem:s12+$0xFFFFFFF0] =	vst v63  }
0x272: {  	v1 =	vadd.f32 v13, v4;
	[tilespmem:s12+$0x0] =	vst v3  }
0x273: {  	[tilespmem:s12+$0x30] =	vst v2  }
0x274: {  	s24 =	sadd.s32 $0x400, s24;
	s19 =	sadd.s32 $0x1, s19;
	[tilespmem:s12+$0x10] =	vst v1  }
0x275: {  	s19 =	simm.s32 $0x0;
	s0 =	rddreg [dreg:$0x14]  }
0x276: {  	[hbm4b:s0+s19] =	stream.linear.scatter [tilespmem:s13], [sflag:$0x6], $0x4000, $0x38;
	[tilespmem:$0x1C400] =	vst v63  }
0x277: {  	_ =	swait.ge [sflag:s14], $0x4000  }
0x278: {  	[sflag:s14] =	ssyncset.done $0x0  }
0x279: {  	[sflag:s14] =	ssyncadd.s32 $0xFFFFC000  }
0x27a: {  	_ =	swait.ge [sflag:s15], $0x4000  }
0x27b: {  	[sflag:s15] =	ssyncset.done $0x0  }
0x27c: {  	s24 =	simm.s32 $0x0;
	s25 =	simm.s32 $0x0;
	[sflag:s15] =	ssyncadd.s32 $0xFFFFC000  }
.LBB2_44:
0x27d: {  	v1 =	vmov s25  }
0x27e: {  	v1 =	vadd.s32 $0x3E0, v1  }
0x27f: {  	v1 =	vbroadcast v1, $0x0;
	_ =	sdelay $0x5  }
0x280: {  	v1 =	vld.idx.msk [tilespmem:v1+s8+$0x0], $0xffff;
	_ =	sdelay $0x4  }
0x281: {  	s0 =	simm.s32 $0x70;
	v1 =	vshll.u32 v1, $0xA  }
0x282: {  	s6 =	simm.s32 $0x60;
	s18 =	sshll.u32 s24, $0x2;
	s26 =	sand.u32 $0x7, s19;
	v1 =	vor.u32 v0, v1  }
0x283: {  	v2 =	vor.u32 s0, v1;
	v3 =	vor.u32 s6, v1;
	s0 =	sand.u32 $0xFFFF8000, s18;
	s6 =	sshll.u32 s26, $0x9  }
0x284: {  	s7 =	simm.s32 $0x0;
	s0 =	sor.u32 s6, s0  }
0x285: {  	s12 =	simm.s32 $0x10;
	v4 =	vor.u32 s7, v1;
	s0 =	sshrl.u32 s0, $0x2  }
0x286: {  	s28 =	simm.s32 $0x20;
	v6 =	vor.u32 s12, v1;
	s7 =	sadd.s32 $0xC440, s0  }
0x287: {  	s29 =	simm.s32 $0x30;
	v7 =	vor.u32 s28, v1;
	v11 =	vld [tilespmem:s7+$0x20]  }
0x288: {  	s31 =	simm.s32 $0x50;
	v9 =	vor.u32 s29, v1;
	v2 =	vld.idx.msk [tilespmem:v2+s4+$0x0], $0xffff  }
0x289: {  	v12 =	vor.u32 s31, v1;
	v10 =	vld.idx.msk [tilespmem:v3+s4+$0x0], $0xffff  }
0x28a: {  	s30 =	simm.s32 $0x40;
	v5 =	vld.idx.msk [tilespmem:v4+s4+$0x0], $0xffff  }
0x28b: {  	v3 =	vor.u32 s30, v1;
	v8 =	vld.idx.msk [tilespmem:v6+s4+$0x0], $0xffff  }
0x28c: {  	v7 =	vld.idx.msk [tilespmem:v7+s4+$0x0], $0xffff  }
0x28d: {  	v6 =	vld.idx.msk [tilespmem:v9+s4+$0x0], $0xffff  }
0x28e: {  	v4 =	vld.idx.msk [tilespmem:v12+s4+$0x0], $0xffff  }
0x28f: {  	v9 =	vld [tilespmem:s7+$0xFFFFFFC0];
	v10 =	vadd.f32 v11, v10  }
0x290: {  	s12 =	sadd.s32 $0x14440, s0;
	v3 =	vld.idx.msk [tilespmem:v3+s4+$0x0], $0xffff  }
0x291: {  	s18 =	simm.s32 $0xF0;
	s6 =	simm.s32 $0x0;
	[tilespmem:s12+$0x20] =	vst v10;
	v10 =	vld [tilespmem:s7+$0xFFFFFFD0]  }
.LBB2_45:
0x292: {  	s0 =	sadd.s32 $0xFFFFFFA0, s18;
	s26 =	sadd.s32 $0xFFFFFFF0, s18;
	v11 =	vor.u32 s18, v1;
	s6 =	sadd.s32 $0x8, s6;
	v12 =	vld [tilespmem:s7+$0xFFFFFFE0]  }
0x293: {  	s28 =	sadd.s32 $0xFFFFFFC0, s18;
	v13 =	vor.u32 s0, v1;
	s0 =	sadd.s32 $0xFFFFFFB0, s18;
	v14 =	vor.u32 s26, v1;
	p0 =	slt.u32 s6, $0x38;
	v15 =	vld [tilespmem:s7+$0xFFFFFFF0]  }
0x294: {  	s26 =	sadd.s32 $0xFFFFFF90, s18;
	v17 =	vor.u32 s28, v1;
	s28 =	sadd.s32 $0xFFFFFFE0, s18;
	v16 =	vor.u32 s0, v1;
	s0 =	sadd.s32 $0xFFFFFFD0, s18;
	v18 =	vld [tilespmem:s7+$0x0]  }
0x295: {  	v19 =	vor.u32 s26, v1;
	v21 =	vor.u32 s28, v1;
	v20 =	vor.u32 s0, v1;
	v22 =	vld [tilespmem:s7+$0x10]  }
0x296: {  	v5 =	vadd.f32 v9, v5;
	v8 =	vadd.f32 v10, v8;
	v9 =	vld [tilespmem:s7+$0x30]  }
0x297: {  	v10 =	vld.idx.msk [tilespmem:v11+s4+$0x0], $0xffff;
	v7 =	vadd.f32 v12, v7  }
0x298: {  	s7 =	sadd.s32 $0x400, s7;
	v11 =	vld.idx.msk [tilespmem:v14+s4+$0x0], $0xffff;
	[tilespmem:s12+$0xFFFFFFC0] =	vst v5;
	v6 =	vadd.f32 v15, v6  }
0x299: {  	v12 =	vld [tilespmem:s7+$0x20];
	[tilespmem:s12+$0xFFFFFFD0] =	vst v8;
	v3 =	vadd.f32 v18, v3  }
0x29a: {  	v5 =	vld.idx.msk [tilespmem:v19+s4+$0x0], $0xffff;
	[tilespmem:s12+$0xFFFFFFE0] =	vst v7;
	v4 =	vadd.f32 v22, v4  }
0x29b: {  	v8 =	vld.idx.msk [tilespmem:v13+s4+$0x0], $0xffff;
	[tilespmem:s12+$0xFFFFFFF0] =	vst v6;
	v9 =	vadd.f32 v9, v2  }
0x29c: {  	v7 =	vld.idx.msk [tilespmem:v16+s4+$0x0], $0xffff;
	[tilespmem:s12+$0x0] =	vst v3  }
.Ltmp21:
0x29d: {  	v2 =	vmov v10;
	v6 =	vld.idx.msk [tilespmem:v17+s4+$0x0], $0xffff;
	[tilespmem:s12+$0x10] =	vst v4;
	(pc) =	sbr.rel @p0 .LBB2_45-.Ltmp21, $4  }
0x29e: {  	v3 =	vld.idx.msk [tilespmem:v20+s4+$0x0], $0xffff;
	v10 =	vadd.f32 v12, v11;
	[tilespmem:s12+$0x30] =	vst v9  }
0x29f: {  	s12 =	sadd.s32 $0x400, s12;
	v4 =	vld.idx.msk [tilespmem:v21+s4+$0x0], $0xffff  }
0x2a0: {  	v9 =	vld [tilespmem:s7+$0xFFFFFFC0];
	[tilespmem:s12+$0x20] =	vst v10  }
0x2a1: {  	s18 =	sadd.s32 $0x80, s18;
	v10 =	vld [tilespmem:s7+$0xFFFFFFD0]  }
0x2a2: {  	v1 =	vld [tilespmem:s7+$0xFFFFFFE0]  }
0x2a3: {  	v11 =	vld [tilespmem:s7+$0xFFFFFFF0]  }
0x2a4: {  	v12 =	vld [tilespmem:s7+$0x0]  }
0x2a5: {  	v62 =	vld [tilespmem:s7+$0x30];
	v5 =	vadd.f32 v9, v5  }
0x2a6: {  	v13 =	vld [tilespmem:s7+$0x10];
	v8 =	vadd.f32 v10, v8  }
0x2a7: {  	s25 =	sadd.s32 $0x1, s25;
	v1 =	vadd.f32 v1, v7;
	[tilespmem:s12+$0xFFFFFFC0] =	vst v5  }
0x2a8: {  	p0 =	sne.s32 s25, $0x10;
	v63 =	vadd.f32 v11, v6;
	[tilespmem:s12+$0xFFFFFFD0] =	vst v8  }
.Ltmp22:
0x2a9: {  	v3 =	vadd.f32 v12, v3;
	[tilespmem:s12+$0xFFFFFFE0] =	vst v1;
	(pc) =	sbr.rel @p0 .LBB2_44-.Ltmp22, $4  }
0x2aa: {  	v2 =	vadd.f32 v62, v2;
	[tilespmem:s12+$0xFFFFFFF0] =	vst v63  }
0x2ab: {  	v1 =	vadd.f32 v13, v4;
	[tilespmem:s12+$0x0] =	vst v3  }
0x2ac: {  	[tilespmem:s12+$0x30] =	vst v2  }
0x2ad: {  	s24 =	sadd.s32 $0x400, s24;
	s19 =	sadd.s32 $0x1, s19;
	[tilespmem:s12+$0x10] =	vst v1  }
0x2ae: {  	s19 =	simm.s32 $0x0;
	s0 =	rddreg [dreg:$0x15]  }
0x2af: {  	[hbm4b:s0+s19] =	stream.linear.scatter [tilespmem:s10], [sflag:$0x5], $0x4000, $0x38;
	[tilespmem:$0x1C400] =	vst v63  }
0x2b0: {  	_ =	swait.ge [sflag:s16], $0x4000  }
0x2b1: {  	[sflag:s16] =	ssyncset.done $0x0  }
0x2b2: {  	[sflag:s16] =	ssyncadd.s32 $0xFFFFC000  }
0x2b3: {  	_ =	swait.ge [sflag:s17], $0x4000  }
0x2b4: {  	[sflag:s17] =	ssyncset.done $0x0  }
0x2b5: {  	s24 =	simm.s32 $0x0;
	s25 =	simm.s32 $0x0;
	[sflag:s17] =	ssyncadd.s32 $0xFFFFC000  }
.LBB2_48:
0x2b6: {  	v1 =	vmov s25  }
0x2b7: {  	v1 =	vadd.s32 $0x3F0, v1  }
0x2b8: {  	v1 =	vbroadcast v1, $0x0;
	_ =	sdelay $0x5  }
0x2b9: {  	v1 =	vld.idx.msk [tilespmem:v1+s8+$0x0], $0xffff;
	_ =	sdelay $0x4  }
0x2ba: {  	s0 =	simm.s32 $0x70;
	v1 =	vshll.u32 v1, $0xA  }
0x2bb: {  	s6 =	simm.s32 $0x60;
	s18 =	sshll.u32 s24, $0x2;
	s26 =	sand.u32 $0x7, s19;
	v1 =	vor.u32 v0, v1  }
0x2bc: {  	v2 =	vor.u32 s0, v1;
	v3 =	vor.u32 s6, v1;
	s0 =	sand.u32 $0xFFFF8000, s18;
	s6 =	sshll.u32 s26, $0x9  }
0x2bd: {  	s7 =	simm.s32 $0x0;
	s0 =	sor.u32 s6, s0  }
0x2be: {  	s12 =	simm.s32 $0x10;
	v4 =	vor.u32 s7, v1;
	s0 =	sshrl.u32 s0, $0x2  }
0x2bf: {  	s28 =	simm.s32 $0x20;
	v6 =	vor.u32 s12, v1;
	s7 =	sadd.s32 $0x10440, s0  }
0x2c0: {  	s29 =	simm.s32 $0x30;
	v7 =	vor.u32 s28, v1;
	v11 =	vld [tilespmem:s7+$0x20]  }
0x2c1: {  	s31 =	simm.s32 $0x50;
	v9 =	vor.u32 s29, v1;
	v2 =	vld.idx.msk [tilespmem:v2+s4+$0x0], $0xffff  }
0x2c2: {  	v12 =	vor.u32 s31, v1;
	v10 =	vld.idx.msk [tilespmem:v3+s4+$0x0], $0xffff  }
0x2c3: {  	s30 =	simm.s32 $0x40;
	v5 =	vld.idx.msk [tilespmem:v4+s4+$0x0], $0xffff  }
0x2c4: {  	v3 =	vor.u32 s30, v1;
	v8 =	vld.idx.msk [tilespmem:v6+s4+$0x0], $0xffff  }
0x2c5: {  	v7 =	vld.idx.msk [tilespmem:v7+s4+$0x0], $0xffff  }
0x2c6: {  	v6 =	vld.idx.msk [tilespmem:v9+s4+$0x0], $0xffff  }
0x2c7: {  	v4 =	vld.idx.msk [tilespmem:v12+s4+$0x0], $0xffff  }
0x2c8: {  	v9 =	vld [tilespmem:s7+$0xFFFFFFC0];
	v10 =	vadd.f32 v11, v10  }
0x2c9: {  	s12 =	sadd.s32 $0x18440, s0;
	v3 =	vld.idx.msk [tilespmem:v3+s4+$0x0], $0xffff  }
0x2ca: {  	s18 =	simm.s32 $0xF0;
	s6 =	simm.s32 $0x0;
	[tilespmem:s12+$0x20] =	vst v10;
	v10 =	vld [tilespmem:s7+$0xFFFFFFD0]  }
.LBB2_49:
0x2cb: {  	s0 =	sadd.s32 $0xFFFFFFA0, s18;
	s26 =	sadd.s32 $0xFFFFFFF0, s18;
	v11 =	vor.u32 s18, v1;
	s6 =	sadd.s32 $0x8, s6;
	v12 =	vld [tilespmem:s7+$0xFFFFFFE0]  }
0x2cc: {  	s28 =	sadd.s32 $0xFFFFFFC0, s18;
	v13 =	vor.u32 s0, v1;
	s0 =	sadd.s32 $0xFFFFFFB0, s18;
	v14 =	vor.u32 s26, v1;
	p0 =	slt.u32 s6, $0x38;
	v15 =	vld [tilespmem:s7+$0xFFFFFFF0]  }
0x2cd: {  	s26 =	sadd.s32 $0xFFFFFF90, s18;
	v17 =	vor.u32 s28, v1;
	s28 =	sadd.s32 $0xFFFFFFE0, s18;
	v16 =	vor.u32 s0, v1;
	s0 =	sadd.s32 $0xFFFFFFD0, s18;
	v18 =	vld [tilespmem:s7+$0x0]  }
0x2ce: {  	v19 =	vor.u32 s26, v1;
	v21 =	vor.u32 s28, v1;
	v20 =	vor.u32 s0, v1;
	v22 =	vld [tilespmem:s7+$0x10]  }
0x2cf: {  	v5 =	vadd.f32 v9, v5;
	v8 =	vadd.f32 v10, v8;
	v9 =	vld [tilespmem:s7+$0x30]  }
0x2d0: {  	v10 =	vld.idx.msk [tilespmem:v11+s4+$0x0], $0xffff;
	v7 =	vadd.f32 v12, v7  }
0x2d1: {  	s7 =	sadd.s32 $0x400, s7;
	v11 =	vld.idx.msk [tilespmem:v14+s4+$0x0], $0xffff;
	[tilespmem:s12+$0xFFFFFFC0] =	vst v5;
	v6 =	vadd.f32 v15, v6  }
0x2d2: {  	v12 =	vld [tilespmem:s7+$0x20];
	[tilespmem:s12+$0xFFFFFFD0] =	vst v8;
	v3 =	vadd.f32 v18, v3  }
0x2d3: {  	v5 =	vld.idx.msk [tilespmem:v19+s4+$0x0], $0xffff;
	[tilespmem:s12+$0xFFFFFFE0] =	vst v7;
	v4 =	vadd.f32 v22, v4  }
0x2d4: {  	v8 =	vld.idx.msk [tilespmem:v13+s4+$0x0], $0xffff;
	[tilespmem:s12+$0xFFFFFFF0] =	vst v6;
	v9 =	vadd.f32 v9, v2  }
0x2d5: {  	v7 =	vld.idx.msk [tilespmem:v16+s4+$0x0], $0xffff;
	[tilespmem:s12+$0x0] =	vst v3  }
.Ltmp23:
0x2d6: {  	v2 =	vmov v10;
	v6 =	vld.idx.msk [tilespmem:v17+s4+$0x0], $0xffff;
	[tilespmem:s12+$0x10] =	vst v4;
	(pc) =	sbr.rel @p0 .LBB2_49-.Ltmp23, $4  }
0x2d7: {  	v3 =	vld.idx.msk [tilespmem:v20+s4+$0x0], $0xffff;
	v10 =	vadd.f32 v12, v11;
	[tilespmem:s12+$0x30] =	vst v9  }
0x2d8: {  	s12 =	sadd.s32 $0x400, s12;
	v4 =	vld.idx.msk [tilespmem:v21+s4+$0x0], $0xffff  }
0x2d9: {  	v9 =	vld [tilespmem:s7+$0xFFFFFFC0];
	[tilespmem:s12+$0x20] =	vst v10  }
0x2da: {  	s18 =	sadd.s32 $0x80, s18;
	v10 =	vld [tilespmem:s7+$0xFFFFFFD0]  }
0x2db: {  	v1 =	vld [tilespmem:s7+$0xFFFFFFE0]  }
0x2dc: {  	v11 =	vld [tilespmem:s7+$0xFFFFFFF0]  }
0x2dd: {  	v12 =	vld [tilespmem:s7+$0x0]  }
0x2de: {  	v62 =	vld [tilespmem:s7+$0x30];
	v5 =	vadd.f32 v9, v5  }
0x2df: {  	v13 =	vld [tilespmem:s7+$0x10];
	v8 =	vadd.f32 v10, v8  }
0x2e0: {  	s25 =	sadd.s32 $0x1, s25;
	v1 =	vadd.f32 v1, v7;
	[tilespmem:s12+$0xFFFFFFC0] =	vst v5  }
0x2e1: {  	p0 =	sne.s32 s25, $0x10;
	v63 =	vadd.f32 v11, v6;
	[tilespmem:s12+$0xFFFFFFD0] =	vst v8  }
.Ltmp24:
0x2e2: {  	v3 =	vadd.f32 v12, v3;
	[tilespmem:s12+$0xFFFFFFE0] =	vst v1;
	(pc) =	sbr.rel @p0 .LBB2_48-.Ltmp24, $4  }
0x2e3: {  	v2 =	vadd.f32 v62, v2;
	[tilespmem:s12+$0xFFFFFFF0] =	vst v63  }
0x2e4: {  	v1 =	vadd.f32 v13, v4;
	[tilespmem:s12+$0x0] =	vst v3  }
0x2e5: {  	[tilespmem:s12+$0x30] =	vst v2  }
0x2e6: {  	s24 =	sadd.s32 $0x400, s24;
	s19 =	sadd.s32 $0x1, s19;
	[tilespmem:s12+$0x10] =	vst v1  }
0x2e7: {  	s0 =	rddreg [dreg:$0x16]  }
0x2e8: {  	[hbm4b:s0+s4] =	stream.linear.scatter [tilespmem:s13], [sflag:$0x6], $0x4000, $0x38;
	[tilespmem:$0x1C400] =	vst v63  }
0x2e9: {  	_ =	swait.ge [sflag:s15], $0x4000  }
0x2ea: {  	[sflag:s15] =	ssyncset.done $0x0  }
0x2eb: {  	[sflag:s15] =	ssyncadd.s32 $0xFFFFC000  }
0x2ec: {  	_ =	swait.ge [sflag:s17], $0x4000  }
0x2ed: {  	s6 =	rddreg [dreg:$0x17]  }
0x2ee: {  	s31 =	rddreg [dreg:$0x13];
	s6 =	sadd.s32 $0x1, s6  }
0x2ef: {  	p0 =	sne.s32 s6, s31  }
.Ltmp25:
0x2f0: {  	_ = 	snop;
	(pc) =	sbr.rel @p0 .LBB2_1-.Ltmp25, $3  }
0x2f1: {  	_ =	sdelay $0x1  }
0x2f2: {  	[sflag:s17] =	ssyncset.done $0x0  }
0x2f3: {  	[sflag:s17] =	ssyncadd.s32 $0xFFFFC000  }
0x2f4: {  	_ =	sfence.sel $0x180000  }
0x2f5: {  	[bflag:$0x0] =	sbarrier.arrive $0xFFFF  }
0x2f6: {  	_ =	strace $0x90000047  }
0x2f7: {  	s0 =	stileid.u32;
	[bflag:$0x2] =	sbarrier.arrive $0xFFFF  }
0x2f8: {  	p0 =	sne.s32 s0, $0x0;
	s0 =	rddreg [dreg:$0x3]  }
0x2f9: {  	s0 =	sadd.s32 @!p0 $0x100000, s0  }
0x2fa: {  	[sflag:s0] =	ssyncadd.tile.s32 @!p0 $0x1;
	_ =	shalt  }
.Lfunc_end2:
_tile_overlayer_lowered:
.L_overlay_start_2:
0x2fb: {  	(tag) =	ssettag $0x2  }
0x2fc: {  	s0 =	rddreg [dreg:$0x0];
	s2 =	stileid.u32  }
0x2fd: {  	s1 =	rddreg [dreg:$0x1];
	p0 =	sne.s32 s2, $0x0  }
0x2fe: {  	s3 =	rddreg [dreg:$0x2];
	[bflag:$0x3] =	sbarrier.arrive $0xFFFF;
	s2 =	simm.s32 @!p0 $0x1C07  }
0x2ff: {  	[timem:s3], [sflag:s2] =	dma.local @!p0 [hbm:s0], s1  }
0x300: {  	s0 =	simm.s32 @!p0 $0x7  }
0x301: {  	_ =	swait.ge @!p0 [sflag:s0], s1  }
0x302: {  	s1 =	ssub.s32 @!p0 $0x0, s1;
	[sflag:s0] =	ssyncset.done @!p0 $0x0  }
0x303: {  	[sflag:s0] =	ssyncadd.s32 @!p0 s1  }
0x304: {  	[bflag:$0x3] =	sbarrier.arrive $0xFFFF  }
0x305: {  	_ =	shalt  }

</sc_bundles>
